<compile_context>
chip_gen: v7x
topology: tpu7x:2x2x1
jax: 0.10.2.dev20260603
libtpu: 0.0.44.dev20260713+nightly
codegen_flags: <defaults>
</compile_context>

<pallas_src>
import functools

import jax
import jax.numpy as jnp
from jax import lax
from jax.experimental import pallas as pl
from jax.experimental.pallas import tpu as pltpu
from jax.experimental.pallas import tpu_sc as plsc

R = 1024
C = 100000
CH = 40
MAIN = 78
NBUF = 3
EXTRA_W = (C - 32 * MAIN * CH) // 8


def _sc_row_gather(logits_t, perm_i32):
    info = plsc.get_sparse_core_info()
    nc, ns = info.num_cores, info.num_subcores
    mesh = plsc.VectorSubcoreMesh(core_axis_name="c", subcore_axis_name="s")

    @functools.partial(
        pl.kernel,
        mesh=mesh,
        compiler_params=pltpu.CompilerParams(needs_layout_passes=False),
        out_type=jax.ShapeDtypeStruct((C, R), jnp.float32),
        scratch_types=(
            [pltpu.VMEM((CH,), jnp.int32) for _ in range(NBUF)]
            + [pltpu.VMEM((CH, R), jnp.float32) for _ in range(NBUF)]
            + [pltpu.VMEM((8,), jnp.int32)]
            + [pltpu.SemaphoreType.DMA for _ in range(3 * NBUF)]
        ),
    )
    def k(src_hbm, perm_hbm, out_hbm, *refs):
        idx = refs[0:NBUF]
        rows = refs[NBUF:2 * NBUF]
        idxt_v = refs[2 * NBUF]
        isem = refs[2 * NBUF + 1:2 * NBUF + 1 + NBUF]
        gsem = refs[2 * NBUF + 1 + NBUF:2 * NBUF + 1 + 2 * NBUF]
        osem = refs[2 * NBUF + 1 + 2 * NBUF:2 * NBUF + 1 + 3 * NBUF]

        wid = lax.axis_index("s") * nc + lax.axis_index("c")
        row0 = wid * (MAIN * CH) + jnp.minimum(wid, EXTRA_W) * 8

        def off_of(cn):
            return pl.multiple_of(row0 + cn * CH, 8)

        def start_idx(cn, b):
            pltpu.make_async_copy(
                perm_hbm.at[pl.ds(off_of(cn), CH)], idx[b], isem[b]).start()

        def wait_idx(b):
            pltpu.make_async_copy(
                perm_hbm.at[pl.ds(0, CH)], idx[b], isem[b]).wait()

        def start_gather(b):
            pltpu.make_async_copy(src_hbm.at[idx[b]], rows[b], gsem[b]).start()

        def wait_gather(b):
            pltpu.make_async_copy(src_hbm.at[idx[b]], rows[b], gsem[b]).wait()

        def start_out(cn, b):
            pltpu.make_async_copy(
                rows[b], out_hbm.at[pl.ds(off_of(cn), CH)], osem[b]).start()

        def wait_out(b):
            pltpu.make_async_copy(
                rows[b], out_hbm.at[pl.ds(0, CH)], osem[b]).wait()

        @pl.when(wid < EXTRA_W)
        def _tail():
            off = pl.multiple_of(row0 + MAIN * CH, 8)
            pltpu.sync_copy(perm_hbm.at[pl.ds(off, 8)], idxt_v)
            rt = rows[0].at[pl.ds(0, 8)]
            pltpu.async_copy(src_hbm.at[idxt_v], rt, gsem[0]).wait()
            pltpu.sync_copy(rt, out_hbm.at[pl.ds(off, 8)])

        def step(c, b, p):
            first = c < NBUF
            has_prev = c >= 1
            if not first:
                wait_out(b)
            wait_idx(b)
            start_gather(b)
            if has_prev:
                wait_gather(p)
                start_out(c - 1, p)
                if c + 2 < MAIN:
                    start_idx(c + 2, p)

        start_idx(0, 0)
        start_idx(1, 1)
        start_idx(2, 2)
        step(0, 0, 2)
        step(1, 1, 0)
        step(2, 2, 1)

        def body(kk, _):
            c0 = 3 * kk
            wait_out(0)
            wait_idx(0)
            start_gather(0)
            wait_gather(2)
            start_out(c0 - 1, 2)
            start_idx(c0 + 2, 2)
            wait_out(1)
            wait_idx(1)
            start_gather(1)
            wait_gather(0)
            start_out(c0, 0)
            start_idx(c0 + 3, 0)
            wait_out(2)
            wait_idx(2)
            start_gather(2)
            wait_gather(1)
            start_out(c0 + 1, 1)
            start_idx(c0 + 4, 1)
            return 0

        lax.fori_loop(1, 25, body, 0)
        wait_out(0)
        wait_idx(0)
        start_gather(0)
        wait_gather(2)
        start_out(74, 2)
        start_idx(77, 2)
        wait_out(1)
        wait_idx(1)
        start_gather(1)
        wait_gather(0)
        start_out(75, 0)
        wait_out(2)
        wait_idx(2)
        start_gather(2)
        wait_gather(1)
        start_out(76, 1)
        wait_gather(2)
        start_out(77, 2)
        wait_out(0)
        wait_out(1)
        wait_out(2)

    return k(logits_t, perm_i32)


def kernel(x, logits, permutation):
    del x
    perm_i32 = permutation.astype(jnp.int32)
    out_t = _sc_row_gather(logits.T, perm_i32)
    return out_t.T

# --- scband reference (transcript-rebuilt; emitter-appended) ---
"""Pipeline reference for scband-permutation-layer-34952443854916 (READ-ONLY COPY).

The authoritative reference and input builder live on the scoring server;
editing this copy changes nothing except your own understanding.
"""

import jax, jax.numpy as jnp
import numpy as np

NUM_CLASSES = 100000

def setup_inputs(seed: int = 0) -> dict:
    key = jax.random.key(seed)
    k1, k2 = jax.random.split(key)
    x = jax.random.normal(k1, (1024, 128), dtype=jnp.float32)
    logits = jax.random.normal(k2, (1024, NUM_CLASSES), dtype=jnp.float32)
    # Non-trainable learned parameter: permutation, initialized to identity [0..num_classes-1]
    permutation = jnp.arange(NUM_CLASSES, dtype=jnp.float32)
    return {"x": x, "logits": logits, "permutation": permutation}

def reference(x, logits, permutation):
    # Faithful translation of PermutationLayer.call:
    # perm = tf.cast(self.permutation, tf.int32); tf.gather(logits, perm, axis=-1)
    perm = permutation.astype(jnp.int32)
    out = jnp.take(logits, perm, axis=-1)
    return out

if __name__ == "__main__":
    import jax
    _d = setup_inputs()
    print(jax.jit(kernel)(*tuple(_d.values())))

</pallas_src>

<mosaic_0001>
#map = affine_map<(d0, d1) -> (0, 0)>
#map1 = affine_map<(d0, d1) -> (0)>
module attributes {stable_mosaic.version = 14 : i64} {
  func.func @k(%arg0: i32, %arg1: i32, %arg2: memref<100000x1024xf32, #tpu.memory_space<hbm>>, %arg3: memref<100000xi32, #tpu.memory_space<hbm>>, %arg4: memref<100000x1024xf32, #tpu.memory_space<hbm>>, %arg5: memref<40xi32, #tpu.memory_space<vmem>>, %arg6: memref<40xi32, #tpu.memory_space<vmem>>, %arg7: memref<40xi32, #tpu.memory_space<vmem>>, %arg8: memref<40x1024xf32, #tpu.memory_space<vmem>>, %arg9: memref<40x1024xf32, #tpu.memory_space<vmem>>, %arg10: memref<40x1024xf32, #tpu.memory_space<vmem>>, %arg11: memref<8xi32, #tpu.memory_space<vmem>>, %arg12: memref<!tpu.dma_semaphore, #tpu.memory_space<semaphore_mem>>, %arg13: memref<!tpu.dma_semaphore, #tpu.memory_space<semaphore_mem>>, %arg14: memref<!tpu.dma_semaphore, #tpu.memory_space<semaphore_mem>>, %arg15: memref<!tpu.dma_semaphore, #tpu.memory_space<semaphore_mem>>, %arg16: memref<!tpu.dma_semaphore, #tpu.memory_space<semaphore_mem>>, %arg17: memref<!tpu.dma_semaphore, #tpu.memory_space<semaphore_mem>>, %arg18: memref<!tpu.dma_semaphore, #tpu.memory_space<semaphore_mem>>, %arg19: memref<!tpu.dma_semaphore, #tpu.memory_space<semaphore_mem>>, %arg20: memref<!tpu.dma_semaphore, #tpu.memory_space<semaphore_mem>>) attributes {dimension_semantics = [#tpu.dimension_semantics<core_parallel>, #tpu.dimension_semantics<subcore_parallel>], iteration_bounds = array<i64: 2, 16>, scalar_prefetch = 0 : i64, scratch_operands = 16 : i64, tpu.core_type = #tpu.core_type<sc_vector_subcore>, window_params = [{transform_indices = #map}, {transform_indices = #map1}, {transform_indices = #map}]} {
    %mul3A = arith.constant 2 : i32
    %mul3A_0 = arith.muli %arg1, %mul3A : i32
    %add3A = arith.addi %mul3A_0, %arg0 : i32
    %mul3A_1 = arith.constant 3120 : i32
    %mul3A_2 = arith.muli %add3A, %mul3A_1 : i32
    %min3A = arith.constant 20 : i32
    %min3A_3 = arith.minsi %add3A, %min3A : i32
    %mul3A_4 = arith.constant 8 : i32
    %mul3A_5 = arith.muli %min3A_3, %mul3A_4 : i32
    %add3A_6 = arith.addi %mul3A_2, %mul3A_5 : i32
    %lt3A = arith.constant 20 : i32
    %lt3A_7 = arith.cmpi slt, %add3A, %lt3A : i32
    %convert_element_type3A = arith.extui %lt3A_7 : i1 to i32
    %cond3A = arith.constant 0 : i32
    %cond3A_8 = arith.cmpi ne, %convert_element_type3A, %cond3A : i32
    scf.if %cond3A_8 {
      %add3A_180 = arith.constant 3120 : i32
      %add3A_181 = arith.addi %add3A_6, %add3A_180 : i32
      %multiple_of3A_182 = tpu.assume_multiple %add3A_181, 8 : i32
      "tpu.region"() ({
        %run_scoped3A = tpu.sem_alloc : memref<!tpu.dma_semaphore, #tpu.memory_space<semaphore_mem>>
        %dma_start3A_195 = tpu.memref_slice %arg3[%multiple_of3A_182] : memref<100000xi32, #tpu.memory_space<hbm>> -> memref<8xi32, #tpu.memory_space<hbm>>
        %dma_start3A_196 = tpu.memref_slice %arg3[%multiple_of3A_182] : memref<100000xi32, #tpu.memory_space<hbm>> -> memref<8xi32, #tpu.memory_space<hbm>>
        tpu.enqueue_dma source(%dma_start3A_196 : memref<8xi32, #tpu.memory_space<hbm>>) target(%arg11 : memref<8xi32, #tpu.memory_space<vmem>>) target_semaphore(%run_scoped3A : memref<!tpu.dma_semaphore, #tpu.memory_space<semaphore_mem>>)
        %dma_wait3A_197 = tpu.memref_slice %arg3[%multiple_of3A_182] : memref<100000xi32, #tpu.memory_space<hbm>> -> memref<8xi32, #tpu.memory_space<hbm>>
        %dma_wait3A_198 = tpu.memref_slice %arg3[%multiple_of3A_182] : memref<100000xi32, #tpu.memory_space<hbm>> -> memref<8xi32, #tpu.memory_space<hbm>>
        tpu.wait_dma2 semaphore(%run_scoped3A : memref<!tpu.dma_semaphore, #tpu.memory_space<semaphore_mem>>) src(%dma_wait3A_198 : memref<8xi32, #tpu.memory_space<hbm>>) dst(%arg11 : memref<8xi32, #tpu.memory_space<vmem>>)
        tpu.yield
      }) : () -> ()
      %dma_start3A_183 = arith.constant 0 : i32
      %dma_start3A_184 = arith.constant 0 : i32
      %dma_start3A_185 = tpu.memref_slice %arg8[%dma_start3A_183, %dma_start3A_184] : memref<40x1024xf32, #tpu.memory_space<vmem>> -> memref<8x1024xf32, #tpu.memory_space<vmem>>
      %dma_start3A_186 = arith.constant 0 : i32
      %dma_start3A_187 = arith.constant 0 : i32
      %dma_start3A_188 = tpu.memref_slice %arg2[%dma_start3A_186, %dma_start3A_187] : memref<100000x1024xf32, #tpu.memory_space<hbm>> -> memref<100000x1024xf32, #tpu.memory_space<hbm>>
      tpu.enqueue_indirect_dma source(%dma_start3A_188 : memref<100000x1024xf32, #tpu.memory_space<hbm>>) target(%dma_start3A_185 : memref<8x1024xf32, #tpu.memory_space<vmem>>) offsets(%arg11 : memref<8xi32, #tpu.memory_space<vmem>>) semaphore(%arg15 : memref<!tpu.dma_semaphore, #tpu.memory_space<semaphore_mem>>)
      %dma_wait3A_189 = arith.constant 0 : i32
      %dma_wait3A_190 = arith.constant 0 : i32
      %dma_wait3A_191 = tpu.memref_slice %arg8[%dma_wait3A_189, %dma_wait3A_190] : memref<40x1024xf32, #tpu.memory_space<vmem>> -> memref<8x1024xf32, #tpu.memory_space<vmem>>
      %dma_wait3A_192 = arith.constant 0 : i32
      %dma_wait3A_193 = arith.constant 0 : i32
      %dma_wait3A_194 = tpu.memref_slice %arg2[%dma_wait3A_192, %dma_wait3A_193] : memref<100000x1024xf32, #tpu.memory_space<hbm>> -> memref<100000x1024xf32, #tpu.memory_space<hbm>>
      tpu.wait_indirect_dma semaphore(%arg15 : memref<!tpu.dma_semaphore, #tpu.memory_space<semaphore_mem>>) src(%dma_wait3A_194 : memref<100000x1024xf32, #tpu.memory_space<hbm>>) dst(%dma_wait3A_191 : memref<8x1024xf32, #tpu.memory_space<vmem>>)
      "tpu.region"() ({
        %run_scoped3A = tpu.sem_alloc : memref<!tpu.dma_semaphore, #tpu.memory_space<semaphore_mem>>
        %dma_start3A_195 = arith.constant 0 : i32
        %dma_start3A_196 = arith.constant 0 : i32
        %dma_start3A_197 = tpu.memref_slice %arg8[%dma_start3A_195, %dma_start3A_196] : memref<40x1024xf32, #tpu.memory_space<vmem>> -> memref<8x1024xf32, #tpu.memory_space<vmem>>
        %dma_start3A_198 = arith.constant 0 : i32
        %dma_start3A_199 = tpu.memref_slice %arg4[%multiple_of3A_182, %dma_start3A_198] : memref<100000x1024xf32, #tpu.memory_space<hbm>> -> memref<8x1024xf32, #tpu.memory_space<hbm>>
        %dma_start3A_200 = arith.constant 0 : i32
        %dma_start3A_201 = tpu.memref_slice %arg4[%multiple_of3A_182, %dma_start3A_200] : memref<100000x1024xf32, #tpu.memory_space<hbm>> -> memref<8x1024xf32, #tpu.memory_space<hbm>>
        %dma_start3A_202 = arith.constant 0 : i32
        %dma_start3A_203 = arith.constant 0 : i32
        %dma_start3A_204 = tpu.memref_slice %arg8[%dma_start3A_202, %dma_start3A_203] : memref<40x1024xf32, #tpu.memory_space<vmem>> -> memref<8x1024xf32, #tpu.memory_space<vmem>>
        tpu.enqueue_dma source(%dma_start3A_204 : memref<8x1024xf32, #tpu.memory_space<vmem>>) target(%dma_start3A_201 : memref<8x1024xf32, #tpu.memory_space<hbm>>) target_semaphore(%run_scoped3A : memref<!tpu.dma_semaphore, #tpu.memory_space<semaphore_mem>>)
        %dma_wait3A_205 = arith.constant 0 : i32
        %dma_wait3A_206 = arith.constant 0 : i32
        %dma_wait3A_207 = tpu.memref_slice %arg8[%dma_wait3A_205, %dma_wait3A_206] : memref<40x1024xf32, #tpu.memory_space<vmem>> -> memref<8x1024xf32, #tpu.memory_space<vmem>>
        %dma_wait3A_208 = arith.constant 0 : i32
        %dma_wait3A_209 = tpu.memref_slice %arg4[%multiple_of3A_182, %dma_wait3A_208] : memref<100000x1024xf32, #tpu.memory_space<hbm>> -> memref<8x1024xf32, #tpu.memory_space<hbm>>
        %dma_wait3A_210 = arith.constant 0 : i32
        %dma_wait3A_211 = tpu.memref_slice %arg4[%multiple_of3A_182, %dma_wait3A_210] : memref<100000x1024xf32, #tpu.memory_space<hbm>> -> memref<8x1024xf32, #tpu.memory_space<hbm>>
        %dma_wait3A_212 = arith.constant 0 : i32
        %dma_wait3A_213 = arith.constant 0 : i32
        %dma_wait3A_214 = tpu.memref_slice %arg8[%dma_wait3A_212, %dma_wait3A_213] : memref<40x1024xf32, #tpu.memory_space<vmem>> -> memref<8x1024xf32, #tpu.memory_space<vmem>>
        tpu.wait_dma2 semaphore(%run_scoped3A : memref<!tpu.dma_semaphore, #tpu.memory_space<semaphore_mem>>) src(%dma_wait3A_214 : memref<8x1024xf32, #tpu.memory_space<vmem>>) dst(%dma_wait3A_211 : memref<8x1024xf32, #tpu.memory_space<hbm>>)
        tpu.yield
      }) : () -> ()
    } else {
    }
    %add3A_9 = arith.constant 0 : i32
    %add3A_10 = arith.addi %add3A_6, %add3A_9 : i32
    %multiple_of3A = tpu.assume_multiple %add3A_10, 8 : i32
    %dma_start3A = tpu.memref_slice %arg3[%multiple_of3A] : memref<100000xi32, #tpu.memory_space<hbm>> -> memref<40xi32, #tpu.memory_space<hbm>>
    %dma_start3A_11 = tpu.memref_slice %arg3[%multiple_of3A] : memref<100000xi32, #tpu.memory_space<hbm>> -> memref<40xi32, #tpu.memory_space<hbm>>
    tpu.enqueue_dma source(%dma_start3A_11 : memref<40xi32, #tpu.memory_space<hbm>>) target(%arg5 : memref<40xi32, #tpu.memory_space<vmem>>) target_semaphore(%arg12 : memref<!tpu.dma_semaphore, #tpu.memory_space<semaphore_mem>>)
    %add3A_12 = arith.constant 40 : i32
    %add3A_13 = arith.addi %add3A_6, %add3A_12 : i32
    %multiple_of3A_14 = tpu.assume_multiple %add3A_13, 8 : i32
    %dma_start3A_15 = tpu.memref_slice %arg3[%multiple_of3A_14] : memref<100000xi32, #tpu.memory_space<hbm>> -> memref<40xi32, #tpu.memory_space<hbm>>
    %dma_start3A_16 = tpu.memref_slice %arg3[%multiple_of3A_14] : memref<100000xi32, #tpu.memory_space<hbm>> -> memref<40xi32, #tpu.memory_space<hbm>>
    tpu.enqueue_dma source(%dma_start3A_16 : memref<40xi32, #tpu.memory_space<hbm>>) target(%arg6 : memref<40xi32, #tpu.memory_space<vmem>>) target_semaphore(%arg13 : memref<!tpu.dma_semaphore, #tpu.memory_space<semaphore_mem>>)
    %add3A_17 = arith.constant 80 : i32
    %add3A_18 = arith.addi %add3A_6, %add3A_17 : i32
    %multiple_of3A_19 = tpu.assume_multiple %add3A_18, 8 : i32
    %dma_start3A_20 = tpu.memref_slice %arg3[%multiple_of3A_19] : memref<100000xi32, #tpu.memory_space<hbm>> -> memref<40xi32, #tpu.memory_space<hbm>>
    %dma_start3A_21 = tpu.memref_slice %arg3[%multiple_of3A_19] : memref<100000xi32, #tpu.memory_space<hbm>> -> memref<40xi32, #tpu.memory_space<hbm>>
    tpu.enqueue_dma source(%dma_start3A_21 : memref<40xi32, #tpu.memory_space<hbm>>) target(%arg7 : memref<40xi32, #tpu.memory_space<vmem>>) target_semaphore(%arg14 : memref<!tpu.dma_semaphore, #tpu.memory_space<semaphore_mem>>)
    %dma_wait3A = arith.constant 0 : i32
    %dma_wait3A_22 = tpu.memref_slice %arg3[%dma_wait3A] : memref<100000xi32, #tpu.memory_space<hbm>> -> memref<40xi32, #tpu.memory_space<hbm>>
    %dma_wait3A_23 = arith.constant 0 : i32
    %dma_wait3A_24 = tpu.memref_slice %arg3[%dma_wait3A_23] : memref<100000xi32, #tpu.memory_space<hbm>> -> memref<40xi32, #tpu.memory_space<hbm>>
    tpu.wait_dma2 semaphore(%arg12 : memref<!tpu.dma_semaphore, #tpu.memory_space<semaphore_mem>>) src(%dma_wait3A_24 : memref<40xi32, #tpu.memory_space<hbm>>) dst(%arg5 : memref<40xi32, #tpu.memory_space<vmem>>)
    %dma_start3A_25 = arith.constant 0 : i32
    %dma_start3A_26 = arith.constant 0 : i32
    %dma_start3A_27 = tpu.memref_slice %arg2[%dma_start3A_25, %dma_start3A_26] : memref<100000x1024xf32, #tpu.memory_space<hbm>> -> memref<100000x1024xf32, #tpu.memory_space<hbm>>
    tpu.enqueue_indirect_dma source(%dma_start3A_27 : memref<100000x1024xf32, #tpu.memory_space<hbm>>) target(%arg8 : memref<40x1024xf32, #tpu.memory_space<vmem>>) offsets(%arg5 : memref<40xi32, #tpu.memory_space<vmem>>) semaphore(%arg15 : memref<!tpu.dma_semaphore, #tpu.memory_space<semaphore_mem>>)
    %dma_wait3A_28 = arith.constant 0 : i32
    %dma_wait3A_29 = tpu.memref_slice %arg3[%dma_wait3A_28] : memref<100000xi32, #tpu.memory_space<hbm>> -> memref<40xi32, #tpu.memory_space<hbm>>
    %dma_wait3A_30 = arith.constant 0 : i32
    %dma_wait3A_31 = tpu.memref_slice %arg3[%dma_wait3A_30] : memref<100000xi32, #tpu.memory_space<hbm>> -> memref<40xi32, #tpu.memory_space<hbm>>
    tpu.wait_dma2 semaphore(%arg13 : memref<!tpu.dma_semaphore, #tpu.memory_space<semaphore_mem>>) src(%dma_wait3A_31 : memref<40xi32, #tpu.memory_space<hbm>>) dst(%arg6 : memref<40xi32, #tpu.memory_space<vmem>>)
    %dma_start3A_32 = arith.constant 0 : i32
    %dma_start3A_33 = arith.constant 0 : i32
    %dma_start3A_34 = tpu.memref_slice %arg2[%dma_start3A_32, %dma_start3A_33] : memref<100000x1024xf32, #tpu.memory_space<hbm>> -> memref<100000x1024xf32, #tpu.memory_space<hbm>>
    tpu.enqueue_indirect_dma source(%dma_start3A_34 : memref<100000x1024xf32, #tpu.memory_space<hbm>>) target(%arg9 : memref<40x1024xf32, #tpu.memory_space<vmem>>) offsets(%arg6 : memref<40xi32, #tpu.memory_space<vmem>>) semaphore(%arg16 : memref<!tpu.dma_semaphore, #tpu.memory_space<semaphore_mem>>)
    %dma_wait3A_35 = arith.constant 0 : i32
    %dma_wait3A_36 = arith.constant 0 : i32
    %dma_wait3A_37 = tpu.memref_slice %arg2[%dma_wait3A_35, %dma_wait3A_36] : memref<100000x1024xf32, #tpu.memory_space<hbm>> -> memref<100000x1024xf32, #tpu.memory_space<hbm>>
    tpu.wait_indirect_dma semaphore(%arg15 : memref<!tpu.dma_semaphore, #tpu.memory_space<semaphore_mem>>) src(%dma_wait3A_37 : memref<100000x1024xf32, #tpu.memory_space<hbm>>) dst(%arg8 : memref<40x1024xf32, #tpu.memory_space<vmem>>)
    %add3A_38 = arith.constant 0 : i32
    %add3A_39 = arith.addi %add3A_6, %add3A_38 : i32
    %multiple_of3A_40 = tpu.assume_multiple %add3A_39, 8 : i32
    %dma_start3A_41 = arith.constant 0 : i32
    %dma_start3A_42 = tpu.memref_slice %arg4[%multiple_of3A_40, %dma_start3A_41] : memref<100000x1024xf32, #tpu.memory_space<hbm>> -> memref<40x1024xf32, #tpu.memory_space<hbm>>
    %dma_start3A_43 = arith.constant 0 : i32
    %dma_start3A_44 = tpu.memref_slice %arg4[%multiple_of3A_40, %dma_start3A_43] : memref<100000x1024xf32, #tpu.memory_space<hbm>> -> memref<40x1024xf32, #tpu.memory_space<hbm>>
    tpu.enqueue_dma source(%arg8 : memref<40x1024xf32, #tpu.memory_space<vmem>>) target(%dma_start3A_44 : memref<40x1024xf32, #tpu.memory_space<hbm>>) target_semaphore(%arg18 : memref<!tpu.dma_semaphore, #tpu.memory_space<semaphore_mem>>)
    %add3A_45 = arith.constant 120 : i32
    %add3A_46 = arith.addi %add3A_6, %add3A_45 : i32
    %multiple_of3A_47 = tpu.assume_multiple %add3A_46, 8 : i32
    %dma_start3A_48 = tpu.memref_slice %arg3[%multiple_of3A_47] : memref<100000xi32, #tpu.memory_space<hbm>> -> memref<40xi32, #tpu.memory_space<hbm>>
    %dma_start3A_49 = tpu.memref_slice %arg3[%multiple_of3A_47] : memref<100000xi32, #tpu.memory_space<hbm>> -> memref<40xi32, #tpu.memory_space<hbm>>
    tpu.enqueue_dma source(%dma_start3A_49 : memref<40xi32, #tpu.memory_space<hbm>>) target(%arg5 : memref<40xi32, #tpu.memory_space<vmem>>) target_semaphore(%arg12 : memref<!tpu.dma_semaphore, #tpu.memory_space<semaphore_mem>>)
    %dma_wait3A_50 = arith.constant 0 : i32
    %dma_wait3A_51 = tpu.memref_slice %arg3[%dma_wait3A_50] : memref<100000xi32, #tpu.memory_space<hbm>> -> memref<40xi32, #tpu.memory_space<hbm>>
    %dma_wait3A_52 = arith.constant 0 : i32
    %dma_wait3A_53 = tpu.memref_slice %arg3[%dma_wait3A_52] : memref<100000xi32, #tpu.memory_space<hbm>> -> memref<40xi32, #tpu.memory_space<hbm>>
    tpu.wait_dma2 semaphore(%arg14 : memref<!tpu.dma_semaphore, #tpu.memory_space<semaphore_mem>>) src(%dma_wait3A_53 : memref<40xi32, #tpu.memory_space<hbm>>) dst(%arg7 : memref<40xi32, #tpu.memory_space<vmem>>)
    %dma_start3A_54 = arith.constant 0 : i32
    %dma_start3A_55 = arith.constant 0 : i32
    %dma_start3A_56 = tpu.memref_slice %arg2[%dma_start3A_54, %dma_start3A_55] : memref<100000x1024xf32, #tpu.memory_space<hbm>> -> memref<100000x1024xf32, #tpu.memory_space<hbm>>
    tpu.enqueue_indirect_dma source(%dma_start3A_56 : memref<100000x1024xf32, #tpu.memory_space<hbm>>) target(%arg10 : memref<40x1024xf32, #tpu.memory_space<vmem>>) offsets(%arg7 : memref<40xi32, #tpu.memory_space<vmem>>) semaphore(%arg17 : memref<!tpu.dma_semaphore, #tpu.memory_space<semaphore_mem>>)
    %dma_wait3A_57 = arith.constant 0 : i32
    %dma_wait3A_58 = arith.constant 0 : i32
    %dma_wait3A_59 = tpu.memref_slice %arg2[%dma_wait3A_57, %dma_wait3A_58] : memref<100000x1024xf32, #tpu.memory_space<hbm>> -> memref<100000x1024xf32, #tpu.memory_space<hbm>>
    tpu.wait_indirect_dma semaphore(%arg16 : memref<!tpu.dma_semaphore, #tpu.memory_space<semaphore_mem>>) src(%dma_wait3A_59 : memref<100000x1024xf32, #tpu.memory_space<hbm>>) dst(%arg9 : memref<40x1024xf32, #tpu.memory_space<vmem>>)
    %add3A_60 = arith.constant 40 : i32
    %add3A_61 = arith.addi %add3A_6, %add3A_60 : i32
    %multiple_of3A_62 = tpu.assume_multiple %add3A_61, 8 : i32
    %dma_start3A_63 = arith.constant 0 : i32
    %dma_start3A_64 = tpu.memref_slice %arg4[%multiple_of3A_62, %dma_start3A_63] : memref<100000x1024xf32, #tpu.memory_space<hbm>> -> memref<40x1024xf32, #tpu.memory_space<hbm>>
    %dma_start3A_65 = arith.constant 0 : i32
    %dma_start3A_66 = tpu.memref_slice %arg4[%multiple_of3A_62, %dma_start3A_65] : memref<100000x1024xf32, #tpu.memory_space<hbm>> -> memref<40x1024xf32, #tpu.memory_space<hbm>>
    tpu.enqueue_dma source(%arg9 : memref<40x1024xf32, #tpu.memory_space<vmem>>) target(%dma_start3A_66 : memref<40x1024xf32, #tpu.memory_space<hbm>>) target_semaphore(%arg19 : memref<!tpu.dma_semaphore, #tpu.memory_space<semaphore_mem>>)
    %add3A_67 = arith.constant 160 : i32
    %add3A_68 = arith.addi %add3A_6, %add3A_67 : i32
    %multiple_of3A_69 = tpu.assume_multiple %add3A_68, 8 : i32
    %dma_start3A_70 = tpu.memref_slice %arg3[%multiple_of3A_69] : memref<100000xi32, #tpu.memory_space<hbm>> -> memref<40xi32, #tpu.memory_space<hbm>>
    %dma_start3A_71 = tpu.memref_slice %arg3[%multiple_of3A_69] : memref<100000xi32, #tpu.memory_space<hbm>> -> memref<40xi32, #tpu.memory_space<hbm>>
    tpu.enqueue_dma source(%dma_start3A_71 : memref<40xi32, #tpu.memory_space<hbm>>) target(%arg6 : memref<40xi32, #tpu.memory_space<vmem>>) target_semaphore(%arg13 : memref<!tpu.dma_semaphore, #tpu.memory_space<semaphore_mem>>)
    %scan3A = arith.constant 0 : i32
    %scan3A_72 = arith.constant 1 : i32
    %scan3A_73 = arith.constant 24 : i32
    %scan3A_74 = arith.addi %scan3A_72, %scan3A_73 : i32
    %scan3A_75 = arith.constant 1 : i32
    %scan3A_76 = scf.for %scan3A_180 = %scan3A_72 to %scan3A_74 step %scan3A_75 iter_args(%scan3A_181 = %scan3A) -> (i32)  : i32 {
      %mul3A_182 = arith.constant 3 : i32
      %mul3A_183 = arith.muli %mul3A_182, %scan3A_180 : i32
      %dma_wait3A_184 = arith.constant 0 : i32
      %dma_wait3A_185 = arith.constant 0 : i32
      %dma_wait3A_186 = tpu.memref_slice %arg4[%dma_wait3A_184, %dma_wait3A_185] : memref<100000x1024xf32, #tpu.memory_space<hbm>> -> memref<40x1024xf32, #tpu.memory_space<hbm>>
      %dma_wait3A_187 = arith.constant 0 : i32
      %dma_wait3A_188 = arith.constant 0 : i32
      %dma_wait3A_189 = tpu.memref_slice %arg4[%dma_wait3A_187, %dma_wait3A_188] : memref<100000x1024xf32, #tpu.memory_space<hbm>> -> memref<40x1024xf32, #tpu.memory_space<hbm>>
      tpu.wait_dma2 semaphore(%arg18 : memref<!tpu.dma_semaphore, #tpu.memory_space<semaphore_mem>>) src(%arg8 : memref<40x1024xf32, #tpu.memory_space<vmem>>) dst(%dma_wait3A_189 : memref<40x1024xf32, #tpu.memory_space<hbm>>)
      %dma_wait3A_190 = arith.constant 0 : i32
      %dma_wait3A_191 = tpu.memref_slice %arg3[%dma_wait3A_190] : memref<100000xi32, #tpu.memory_space<hbm>> -> memref<40xi32, #tpu.memory_space<hbm>>
      %dma_wait3A_192 = arith.constant 0 : i32
      %dma_wait3A_193 = tpu.memref_slice %arg3[%dma_wait3A_192] : memref<100000xi32, #tpu.memory_space<hbm>> -> memref<40xi32, #tpu.memory_space<hbm>>
      tpu.wait_dma2 semaphore(%arg12 : memref<!tpu.dma_semaphore, #tpu.memory_space<semaphore_mem>>) src(%dma_wait3A_193 : memref<40xi32, #tpu.memory_space<hbm>>) dst(%arg5 : memref<40xi32, #tpu.memory_space<vmem>>)
      %dma_start3A_194 = arith.constant 0 : i32
      %dma_start3A_195 = arith.constant 0 : i32
      %dma_start3A_196 = tpu.memref_slice %arg2[%dma_start3A_194, %dma_start3A_195] : memref<100000x1024xf32, #tpu.memory_space<hbm>> -> memref<100000x1024xf32, #tpu.memory_space<hbm>>
      tpu.enqueue_indirect_dma source(%dma_start3A_196 : memref<100000x1024xf32, #tpu.memory_space<hbm>>) target(%arg8 : memref<40x1024xf32, #tpu.memory_space<vmem>>) offsets(%arg5 : memref<40xi32, #tpu.memory_space<vmem>>) semaphore(%arg15 : memref<!tpu.dma_semaphore, #tpu.memory_space<semaphore_mem>>)
      %dma_wait3A_197 = arith.constant 0 : i32
      %dma_wait3A_198 = arith.constant 0 : i32
      %dma_wait3A_199 = tpu.memref_slice %arg2[%dma_wait3A_197, %dma_wait3A_198] : memref<100000x1024xf32, #tpu.memory_space<hbm>> -> memref<100000x1024xf32, #tpu.memory_space<hbm>>
      tpu.wait_indirect_dma semaphore(%arg17 : memref<!tpu.dma_semaphore, #tpu.memory_space<semaphore_mem>>) src(%dma_wait3A_199 : memref<100000x1024xf32, #tpu.memory_space<hbm>>) dst(%arg10 : memref<40x1024xf32, #tpu.memory_space<vmem>>)
      %sub3A = arith.constant 1 : i32
      %sub3A_200 = arith.subi %mul3A_183, %sub3A : i32
      %mul3A_201 = arith.constant 40 : i32
      %mul3A_202 = arith.muli %sub3A_200, %mul3A_201 : i32
      %add3A_203 = arith.addi %add3A_6, %mul3A_202 : i32
      %multiple_of3A_204 = tpu.assume_multiple %add3A_203, 8 : i32
      %dma_start3A_205 = arith.constant 0 : i32
      %dma_start3A_206 = tpu.memref_slice %arg4[%multiple_of3A_204, %dma_start3A_205] : memref<100000x1024xf32, #tpu.memory_space<hbm>> -> memref<40x1024xf32, #tpu.memory_space<hbm>>
      %dma_start3A_207 = arith.constant 0 : i32
      %dma_start3A_208 = tpu.memref_slice %arg4[%multiple_of3A_204, %dma_start3A_207] : memref<100000x1024xf32, #tpu.memory_space<hbm>> -> memref<40x1024xf32, #tpu.memory_space<hbm>>
      tpu.enqueue_dma source(%arg10 : memref<40x1024xf32, #tpu.memory_space<vmem>>) target(%dma_start3A_208 : memref<40x1024xf32, #tpu.memory_space<hbm>>) target_semaphore(%arg20 : memref<!tpu.dma_semaphore, #tpu.memory_space<semaphore_mem>>)
      %add3A_209 = arith.constant 2 : i32
      %add3A_210 = arith.addi %mul3A_183, %add3A_209 : i32
      %mul3A_211 = arith.constant 40 : i32
      %mul3A_212 = arith.muli %add3A_210, %mul3A_211 : i32
      %add3A_213 = arith.addi %add3A_6, %mul3A_212 : i32
      %multiple_of3A_214 = tpu.assume_multiple %add3A_213, 8 : i32
      %dma_start3A_215 = tpu.memref_slice %arg3[%multiple_of3A_214] : memref<100000xi32, #tpu.memory_space<hbm>> -> memref<40xi32, #tpu.memory_space<hbm>>
      %dma_start3A_216 = tpu.memref_slice %arg3[%multiple_of3A_214] : memref<100000xi32, #tpu.memory_space<hbm>> -> memref<40xi32, #tpu.memory_space<hbm>>
      tpu.enqueue_dma source(%dma_start3A_216 : memref<40xi32, #tpu.memory_space<hbm>>) target(%arg7 : memref<40xi32, #tpu.memory_space<vmem>>) target_semaphore(%arg14 : memref<!tpu.dma_semaphore, #tpu.memory_space<semaphore_mem>>)
      %dma_wait3A_217 = arith.constant 0 : i32
      %dma_wait3A_218 = arith.constant 0 : i32
      %dma_wait3A_219 = tpu.memref_slice %arg4[%dma_wait3A_217, %dma_wait3A_218] : memref<100000x1024xf32, #tpu.memory_space<hbm>> -> memref<40x1024xf32, #tpu.memory_space<hbm>>
      %dma_wait3A_220 = arith.constant 0 : i32
      %dma_wait3A_221 = arith.constant 0 : i32
      %dma_wait3A_222 = tpu.memref_slice %arg4[%dma_wait3A_220, %dma_wait3A_221] : memref<100000x1024xf32, #tpu.memory_space<hbm>> -> memref<40x1024xf32, #tpu.memory_space<hbm>>
      tpu.wait_dma2 semaphore(%arg19 : memref<!tpu.dma_semaphore, #tpu.memory_space<semaphore_mem>>) src(%arg9 : memref<40x1024xf32, #tpu.memory_space<vmem>>) dst(%dma_wait3A_222 : memref<40x1024xf32, #tpu.memory_space<hbm>>)
      %dma_wait3A_223 = arith.constant 0 : i32
      %dma_wait3A_224 = tpu.memref_slice %arg3[%dma_wait3A_223] : memref<100000xi32, #tpu.memory_space<hbm>> -> memref<40xi32, #tpu.memory_space<hbm>>
      %dma_wait3A_225 = arith.constant 0 : i32
      %dma_wait3A_226 = tpu.memref_slice %arg3[%dma_wait3A_225] : memref<100000xi32, #tpu.memory_space<hbm>> -> memref<40xi32, #tpu.memory_space<hbm>>
      tpu.wait_dma2 semaphore(%arg13 : memref<!tpu.dma_semaphore, #tpu.memory_space<semaphore_mem>>) src(%dma_wait3A_226 : memref<40xi32, #tpu.memory_space<hbm>>) dst(%arg6 : memref<40xi32, #tpu.memory_space<vmem>>)
      %dma_start3A_227 = arith.constant 0 : i32
      %dma_start3A_228 = arith.constant 0 : i32
      %dma_start3A_229 = tpu.memref_slice %arg2[%dma_start3A_227, %dma_start3A_228] : memref<100000x1024xf32, #tpu.memory_space<hbm>> -> memref<100000x1024xf32, #tpu.memory_space<hbm>>
      tpu.enqueue_indirect_dma source(%dma_start3A_229 : memref<100000x1024xf32, #tpu.memory_space<hbm>>) target(%arg9 : memref<40x1024xf32, #tpu.memory_space<vmem>>) offsets(%arg6 : memref<40xi32, #tpu.memory_space<vmem>>) semaphore(%arg16 : memref<!tpu.dma_semaphore, #tpu.memory_space<semaphore_mem>>)
      %dma_wait3A_230 = arith.constant 0 : i32
      %dma_wait3A_231 = arith.constant 0 : i32
      %dma_wait3A_232 = tpu.memref_slice %arg2[%dma_wait3A_230, %dma_wait3A_231] : memref<100000x1024xf32, #tpu.memory_space<hbm>> -> memref<100000x1024xf32, #tpu.memory_space<hbm>>
      tpu.wait_indirect_dma semaphore(%arg15 : memref<!tpu.dma_semaphore, #tpu.memory_space<semaphore_mem>>) src(%dma_wait3A_232 : memref<100000x1024xf32, #tpu.memory_space<hbm>>) dst(%arg8 : memref<40x1024xf32, #tpu.memory_space<vmem>>)
      %mul3A_233 = arith.constant 40 : i32
      %mul3A_234 = arith.muli %mul3A_183, %mul3A_233 : i32
      %add3A_235 = arith.addi %add3A_6, %mul3A_234 : i32
      %multiple_of3A_236 = tpu.assume_multiple %add3A_235, 8 : i32
      %dma_start3A_237 = arith.constant 0 : i32
      %dma_start3A_238 = tpu.memref_slice %arg4[%multiple_of3A_236, %dma_start3A_237] : memref<100000x1024xf32, #tpu.memory_space<hbm>> -> memref<40x1024xf32, #tpu.memory_space<hbm>>
      %dma_start3A_239 = arith.constant 0 : i32
      %dma_start3A_240 = tpu.memref_slice %arg4[%multiple_of3A_236, %dma_start3A_239] : memref<100000x1024xf32, #tpu.memory_space<hbm>> -> memref<40x1024xf32, #tpu.memory_space<hbm>>
      tpu.enqueue_dma source(%arg8 : memref<40x1024xf32, #tpu.memory_space<vmem>>) target(%dma_start3A_240 : memref<40x1024xf32, #tpu.memory_space<hbm>>) target_semaphore(%arg18 : memref<!tpu.dma_semaphore, #tpu.memory_space<semaphore_mem>>)
      %add3A_241 = arith.constant 3 : i32
      %add3A_242 = arith.addi %mul3A_183, %add3A_241 : i32
      %mul3A_243 = arith.constant 40 : i32
      %mul3A_244 = arith.muli %add3A_242, %mul3A_243 : i32
      %add3A_245 = arith.addi %add3A_6, %mul3A_244 : i32
      %multiple_of3A_246 = tpu.assume_multiple %add3A_245, 8 : i32
      %dma_start3A_247 = tpu.memref_slice %arg3[%multiple_of3A_246] : memref<100000xi32, #tpu.memory_space<hbm>> -> memref<40xi32, #tpu.memory_space<hbm>>
      %dma_start3A_248 = tpu.memref_slice %arg3[%multiple_of3A_246] : memref<100000xi32, #tpu.memory_space<hbm>> -> memref<40xi32, #tpu.memory_space<hbm>>
      tpu.enqueue_dma source(%dma_start3A_248 : memref<40xi32, #tpu.memory_space<hbm>>) target(%arg5 : memref<40xi32, #tpu.memory_space<vmem>>) target_semaphore(%arg12 : memref<!tpu.dma_semaphore, #tpu.memory_space<semaphore_mem>>)
      %dma_wait3A_249 = arith.constant 0 : i32
      %dma_wait3A_250 = arith.constant 0 : i32
      %dma_wait3A_251 = tpu.memref_slice %arg4[%dma_wait3A_249, %dma_wait3A_250] : memref<100000x1024xf32, #tpu.memory_space<hbm>> -> memref<40x1024xf32, #tpu.memory_space<hbm>>
      %dma_wait3A_252 = arith.constant 0 : i32
      %dma_wait3A_253 = arith.constant 0 : i32
      %dma_wait3A_254 = tpu.memref_slice %arg4[%dma_wait3A_252, %dma_wait3A_253] : memref<100000x1024xf32, #tpu.memory_space<hbm>> -> memref<40x1024xf32, #tpu.memory_space<hbm>>
      tpu.wait_dma2 semaphore(%arg20 : memref<!tpu.dma_semaphore, #tpu.memory_space<semaphore_mem>>) src(%arg10 : memref<40x1024xf32, #tpu.memory_space<vmem>>) dst(%dma_wait3A_254 : memref<40x1024xf32, #tpu.memory_space<hbm>>)
      %dma_wait3A_255 = arith.constant 0 : i32
      %dma_wait3A_256 = tpu.memref_slice %arg3[%dma_wait3A_255] : memref<100000xi32, #tpu.memory_space<hbm>> -> memref<40xi32, #tpu.memory_space<hbm>>
      %dma_wait3A_257 = arith.constant 0 : i32
      %dma_wait3A_258 = tpu.memref_slice %arg3[%dma_wait3A_257] : memref<100000xi32, #tpu.memory_space<hbm>> -> memref<40xi32, #tpu.memory_space<hbm>>
      tpu.wait_dma2 semaphore(%arg14 : memref<!tpu.dma_semaphore, #tpu.memory_space<semaphore_mem>>) src(%dma_wait3A_258 : memref<40xi32, #tpu.memory_space<hbm>>) dst(%arg7 : memref<40xi32, #tpu.memory_space<vmem>>)
      %dma_start3A_259 = arith.constant 0 : i32
      %dma_start3A_260 = arith.constant 0 : i32
      %dma_start3A_261 = tpu.memref_slice %arg2[%dma_start3A_259, %dma_start3A_260] : memref<100000x1024xf32, #tpu.memory_space<hbm>> -> memref<100000x1024xf32, #tpu.memory_space<hbm>>
      tpu.enqueue_indirect_dma source(%dma_start3A_261 : memref<100000x1024xf32, #tpu.memory_space<hbm>>) target(%arg10 : memref<40x1024xf32, #tpu.memory_space<vmem>>) offsets(%arg7 : memref<40xi32, #tpu.memory_space<vmem>>) semaphore(%arg17 : memref<!tpu.dma_semaphore, #tpu.memory_space<semaphore_mem>>)
      %dma_wait3A_262 = arith.constant 0 : i32
      %dma_wait3A_263 = arith.constant 0 : i32
      %dma_wait3A_264 = tpu.memref_slice %arg2[%dma_wait3A_262, %dma_wait3A_263] : memref<100000x1024xf32, #tpu.memory_space<hbm>> -> memref<100000x1024xf32, #tpu.memory_space<hbm>>
      tpu.wait_indirect_dma semaphore(%arg16 : memref<!tpu.dma_semaphore, #tpu.memory_space<semaphore_mem>>) src(%dma_wait3A_264 : memref<100000x1024xf32, #tpu.memory_space<hbm>>) dst(%arg9 : memref<40x1024xf32, #tpu.memory_space<vmem>>)
      %add3A_265 = arith.constant 1 : i32
      %add3A_266 = arith.addi %mul3A_183, %add3A_265 : i32
      %mul3A_267 = arith.constant 40 : i32
      %mul3A_268 = arith.muli %add3A_266, %mul3A_267 : i32
      %add3A_269 = arith.addi %add3A_6, %mul3A_268 : i32
      %multiple_of3A_270 = tpu.assume_multiple %add3A_269, 8 : i32
      %dma_start3A_271 = arith.constant 0 : i32
      %dma_start3A_272 = tpu.memref_slice %arg4[%multiple_of3A_270, %dma_start3A_271] : memref<100000x1024xf32, #tpu.memory_space<hbm>> -> memref<40x1024xf32, #tpu.memory_space<hbm>>
      %dma_start3A_273 = arith.constant 0 : i32
      %dma_start3A_274 = tpu.memref_slice %arg4[%multiple_of3A_270, %dma_start3A_273] : memref<100000x1024xf32, #tpu.memory_space<hbm>> -> memref<40x1024xf32, #tpu.memory_space<hbm>>
      tpu.enqueue_dma source(%arg9 : memref<40x1024xf32, #tpu.memory_space<vmem>>) target(%dma_start3A_274 : memref<40x1024xf32, #tpu.memory_space<hbm>>) target_semaphore(%arg19 : memref<!tpu.dma_semaphore, #tpu.memory_space<semaphore_mem>>)
      %add3A_275 = arith.constant 4 : i32
      %add3A_276 = arith.addi %mul3A_183, %add3A_275 : i32
      %mul3A_277 = arith.constant 40 : i32
      %mul3A_278 = arith.muli %add3A_276, %mul3A_277 : i32
      %add3A_279 = arith.addi %add3A_6, %mul3A_278 : i32
      %multiple_of3A_280 = tpu.assume_multiple %add3A_279, 8 : i32
      %dma_start3A_281 = tpu.memref_slice %arg3[%multiple_of3A_280] : memref<100000xi32, #tpu.memory_space<hbm>> -> memref<40xi32, #tpu.memory_space<hbm>>
      %dma_start3A_282 = tpu.memref_slice %arg3[%multiple_of3A_280] : memref<100000xi32, #tpu.memory_space<hbm>> -> memref<40xi32, #tpu.memory_space<hbm>>
      tpu.enqueue_dma source(%dma_start3A_282 : memref<40xi32, #tpu.memory_space<hbm>>) target(%arg6 : memref<40xi32, #tpu.memory_space<vmem>>) target_semaphore(%arg13 : memref<!tpu.dma_semaphore, #tpu.memory_space<semaphore_mem>>)
      %scan3A_283 = arith.constant 0 : i32
      scf.yield %scan3A_283 : i32
    }
    %scan3A_77 = arith.constant 24 : i32
    %dma_wait3A_78 = arith.constant 0 : i32
    %dma_wait3A_79 = arith.constant 0 : i32
    %dma_wait3A_80 = tpu.memref_slice %arg4[%dma_wait3A_78, %dma_wait3A_79] : memref<100000x1024xf32, #tpu.memory_space<hbm>> -> memref<40x1024xf32, #tpu.memory_space<hbm>>
    %dma_wait3A_81 = arith.constant 0 : i32
    %dma_wait3A_82 = arith.constant 0 : i32
    %dma_wait3A_83 = tpu.memref_slice %arg4[%dma_wait3A_81, %dma_wait3A_82] : memref<100000x1024xf32, #tpu.memory_space<hbm>> -> memref<40x1024xf32, #tpu.memory_space<hbm>>
    tpu.wait_dma2 semaphore(%arg18 : memref<!tpu.dma_semaphore, #tpu.memory_space<semaphore_mem>>) src(%arg8 : memref<40x1024xf32, #tpu.memory_space<vmem>>) dst(%dma_wait3A_83 : memref<40x1024xf32, #tpu.memory_space<hbm>>)
    %dma_wait3A_84 = arith.constant 0 : i32
    %dma_wait3A_85 = tpu.memref_slice %arg3[%dma_wait3A_84] : memref<100000xi32, #tpu.memory_space<hbm>> -> memref<40xi32, #tpu.memory_space<hbm>>
    %dma_wait3A_86 = arith.constant 0 : i32
    %dma_wait3A_87 = tpu.memref_slice %arg3[%dma_wait3A_86] : memref<100000xi32, #tpu.memory_space<hbm>> -> memref<40xi32, #tpu.memory_space<hbm>>
    tpu.wait_dma2 semaphore(%arg12 : memref<!tpu.dma_semaphore, #tpu.memory_space<semaphore_mem>>) src(%dma_wait3A_87 : memref<40xi32, #tpu.memory_space<hbm>>) dst(%arg5 : memref<40xi32, #tpu.memory_space<vmem>>)
    %dma_start3A_88 = arith.constant 0 : i32
    %dma_start3A_89 = arith.constant 0 : i32
    %dma_start3A_90 = tpu.memref_slice %arg2[%dma_start3A_88, %dma_start3A_89] : memref<100000x1024xf32, #tpu.memory_space<hbm>> -> memref<100000x1024xf32, #tpu.memory_space<hbm>>
    tpu.enqueue_indirect_dma source(%dma_start3A_90 : memref<100000x1024xf32, #tpu.memory_space<hbm>>) target(%arg8 : memref<40x1024xf32, #tpu.memory_space<vmem>>) offsets(%arg5 : memref<40xi32, #tpu.memory_space<vmem>>) semaphore(%arg15 : memref<!tpu.dma_semaphore, #tpu.memory_space<semaphore_mem>>)
    %dma_wait3A_91 = arith.constant 0 : i32
    %dma_wait3A_92 = arith.constant 0 : i32
    %dma_wait3A_93 = tpu.memref_slice %arg2[%dma_wait3A_91, %dma_wait3A_92] : memref<100000x1024xf32, #tpu.memory_space<hbm>> -> memref<100000x1024xf32, #tpu.memory_space<hbm>>
    tpu.wait_indirect_dma semaphore(%arg17 : memref<!tpu.dma_semaphore, #tpu.memory_space<semaphore_mem>>) src(%dma_wait3A_93 : memref<100000x1024xf32, #tpu.memory_space<hbm>>) dst(%arg10 : memref<40x1024xf32, #tpu.memory_space<vmem>>)
    %add3A_94 = arith.constant 2960 : i32
    %add3A_95 = arith.addi %add3A_6, %add3A_94 : i32
    %multiple_of3A_96 = tpu.assume_multiple %add3A_95, 8 : i32
    %dma_start3A_97 = arith.constant 0 : i32
    %dma_start3A_98 = tpu.memref_slice %arg4[%multiple_of3A_96, %dma_start3A_97] : memref<100000x1024xf32, #tpu.memory_space<hbm>> -> memref<40x1024xf32, #tpu.memory_space<hbm>>
    %dma_start3A_99 = arith.constant 0 : i32
    %dma_start3A_100 = tpu.memref_slice %arg4[%multiple_of3A_96, %dma_start3A_99] : memref<100000x1024xf32, #tpu.memory_space<hbm>> -> memref<40x1024xf32, #tpu.memory_space<hbm>>
    tpu.enqueue_dma source(%arg10 : memref<40x1024xf32, #tpu.memory_space<vmem>>) target(%dma_start3A_100 : memref<40x1024xf32, #tpu.memory_space<hbm>>) target_semaphore(%arg20 : memref<!tpu.dma_semaphore, #tpu.memory_space<semaphore_mem>>)
    %add3A_101 = arith.constant 3080 : i32
    %add3A_102 = arith.addi %add3A_6, %add3A_101 : i32
    %multiple_of3A_103 = tpu.assume_multiple %add3A_102, 8 : i32
    %dma_start3A_104 = tpu.memref_slice %arg3[%multiple_of3A_103] : memref<100000xi32, #tpu.memory_space<hbm>> -> memref<40xi32, #tpu.memory_space<hbm>>
    %dma_start3A_105 = tpu.memref_slice %arg3[%multiple_of3A_103] : memref<100000xi32, #tpu.memory_space<hbm>> -> memref<40xi32, #tpu.memory_space<hbm>>
    tpu.enqueue_dma source(%dma_start3A_105 : memref<40xi32, #tpu.memory_space<hbm>>) target(%arg7 : memref<40xi32, #tpu.memory_space<vmem>>) target_semaphore(%arg14 : memref<!tpu.dma_semaphore, #tpu.memory_space<semaphore_mem>>)
    %dma_wait3A_106 = arith.constant 0 : i32
    %dma_wait3A_107 = arith.constant 0 : i32
    %dma_wait3A_108 = tpu.memref_slice %arg4[%dma_wait3A_106, %dma_wait3A_107] : memref<100000x1024xf32, #tpu.memory_space<hbm>> -> memref<40x1024xf32, #tpu.memory_space<hbm>>
    %dma_wait3A_109 = arith.constant 0 : i32
    %dma_wait3A_110 = arith.constant 0 : i32
    %dma_wait3A_111 = tpu.memref_slice %arg4[%dma_wait3A_109, %dma_wait3A_110] : memref<100000x1024xf32, #tpu.memory_space<hbm>> -> memref<40x1024xf32, #tpu.memory_space<hbm>>
    tpu.wait_dma2 semaphore(%arg19 : memref<!tpu.dma_semaphore, #tpu.memory_space<semaphore_mem>>) src(%arg9 : memref<40x1024xf32, #tpu.memory_space<vmem>>) dst(%dma_wait3A_111 : memref<40x1024xf32, #tpu.memory_space<hbm>>)
    %dma_wait3A_112 = arith.constant 0 : i32
    %dma_wait3A_113 = tpu.memref_slice %arg3[%dma_wait3A_112] : memref<100000xi32, #tpu.memory_space<hbm>> -> memref<40xi32, #tpu.memory_space<hbm>>
    %dma_wait3A_114 = arith.constant 0 : i32
    %dma_wait3A_115 = tpu.memref_slice %arg3[%dma_wait3A_114] : memref<100000xi32, #tpu.memory_space<hbm>> -> memref<40xi32, #tpu.memory_space<hbm>>
    tpu.wait_dma2 semaphore(%arg13 : memref<!tpu.dma_semaphore, #tpu.memory_space<semaphore_mem>>) src(%dma_wait3A_115 : memref<40xi32, #tpu.memory_space<hbm>>) dst(%arg6 : memref<40xi32, #tpu.memory_space<vmem>>)
    %dma_start3A_116 = arith.constant 0 : i32
    %dma_start3A_117 = arith.constant 0 : i32
    %dma_start3A_118 = tpu.memref_slice %arg2[%dma_start3A_116, %dma_start3A_117] : memref<100000x1024xf32, #tpu.memory_space<hbm>> -> memref<100000x1024xf32, #tpu.memory_space<hbm>>
    tpu.enqueue_indirect_dma source(%dma_start3A_118 : memref<100000x1024xf32, #tpu.memory_space<hbm>>) target(%arg9 : memref<40x1024xf32, #tpu.memory_space<vmem>>) offsets(%arg6 : memref<40xi32, #tpu.memory_space<vmem>>) semaphore(%arg16 : memref<!tpu.dma_semaphore, #tpu.memory_space<semaphore_mem>>)
    %dma_wait3A_119 = arith.constant 0 : i32
    %dma_wait3A_120 = arith.constant 0 : i32
    %dma_wait3A_121 = tpu.memref_slice %arg2[%dma_wait3A_119, %dma_wait3A_120] : memref<100000x1024xf32, #tpu.memory_space<hbm>> -> memref<100000x1024xf32, #tpu.memory_space<hbm>>
    tpu.wait_indirect_dma semaphore(%arg15 : memref<!tpu.dma_semaphore, #tpu.memory_space<semaphore_mem>>) src(%dma_wait3A_121 : memref<100000x1024xf32, #tpu.memory_space<hbm>>) dst(%arg8 : memref<40x1024xf32, #tpu.memory_space<vmem>>)
    %add3A_122 = arith.constant 3000 : i32
    %add3A_123 = arith.addi %add3A_6, %add3A_122 : i32
    %multiple_of3A_124 = tpu.assume_multiple %add3A_123, 8 : i32
    %dma_start3A_125 = arith.constant 0 : i32
    %dma_start3A_126 = tpu.memref_slice %arg4[%multiple_of3A_124, %dma_start3A_125] : memref<100000x1024xf32, #tpu.memory_space<hbm>> -> memref<40x1024xf32, #tpu.memory_space<hbm>>
    %dma_start3A_127 = arith.constant 0 : i32
    %dma_start3A_128 = tpu.memref_slice %arg4[%multiple_of3A_124, %dma_start3A_127] : memref<100000x1024xf32, #tpu.memory_space<hbm>> -> memref<40x1024xf32, #tpu.memory_space<hbm>>
    tpu.enqueue_dma source(%arg8 : memref<40x1024xf32, #tpu.memory_space<vmem>>) target(%dma_start3A_128 : memref<40x1024xf32, #tpu.memory_space<hbm>>) target_semaphore(%arg18 : memref<!tpu.dma_semaphore, #tpu.memory_space<semaphore_mem>>)
    %dma_wait3A_129 = arith.constant 0 : i32
    %dma_wait3A_130 = arith.constant 0 : i32
    %dma_wait3A_131 = tpu.memref_slice %arg4[%dma_wait3A_129, %dma_wait3A_130] : memref<100000x1024xf32, #tpu.memory_space<hbm>> -> memref<40x1024xf32, #tpu.memory_space<hbm>>
    %dma_wait3A_132 = arith.constant 0 : i32
    %dma_wait3A_133 = arith.constant 0 : i32
    %dma_wait3A_134 = tpu.memref_slice %arg4[%dma_wait3A_132, %dma_wait3A_133] : memref<100000x1024xf32, #tpu.memory_space<hbm>> -> memref<40x1024xf32, #tpu.memory_space<hbm>>
    tpu.wait_dma2 semaphore(%arg20 : memref<!tpu.dma_semaphore, #tpu.memory_space<semaphore_mem>>) src(%arg10 : memref<40x1024xf32, #tpu.memory_space<vmem>>) dst(%dma_wait3A_134 : memref<40x1024xf32, #tpu.memory_space<hbm>>)
    %dma_wait3A_135 = arith.constant 0 : i32
    %dma_wait3A_136 = tpu.memref_slice %arg3[%dma_wait3A_135] : memref<100000xi32, #tpu.memory_space<hbm>> -> memref<40xi32, #tpu.memory_space<hbm>>
    %dma_wait3A_137 = arith.constant 0 : i32
    %dma_wait3A_138 = tpu.memref_slice %arg3[%dma_wait3A_137] : memref<100000xi32, #tpu.memory_space<hbm>> -> memref<40xi32, #tpu.memory_space<hbm>>
    tpu.wait_dma2 semaphore(%arg14 : memref<!tpu.dma_semaphore, #tpu.memory_space<semaphore_mem>>) src(%dma_wait3A_138 : memref<40xi32, #tpu.memory_space<hbm>>) dst(%arg7 : memref<40xi32, #tpu.memory_space<vmem>>)
    %dma_start3A_139 = arith.constant 0 : i32
    %dma_start3A_140 = arith.constant 0 : i32
    %dma_start3A_141 = tpu.memref_slice %arg2[%dma_start3A_139, %dma_start3A_140] : memref<100000x1024xf32, #tpu.memory_space<hbm>> -> memref<100000x1024xf32, #tpu.memory_space<hbm>>
    tpu.enqueue_indirect_dma source(%dma_start3A_141 : memref<100000x1024xf32, #tpu.memory_space<hbm>>) target(%arg10 : memref<40x1024xf32, #tpu.memory_space<vmem>>) offsets(%arg7 : memref<40xi32, #tpu.memory_space<vmem>>) semaphore(%arg17 : memref<!tpu.dma_semaphore, #tpu.memory_space<semaphore_mem>>)
    %dma_wait3A_142 = arith.constant 0 : i32
    %dma_wait3A_143 = arith.constant 0 : i32
    %dma_wait3A_144 = tpu.memref_slice %arg2[%dma_wait3A_142, %dma_wait3A_143] : memref<100000x1024xf32, #tpu.memory_space<hbm>> -> memref<100000x1024xf32, #tpu.memory_space<hbm>>
    tpu.wait_indirect_dma semaphore(%arg16 : memref<!tpu.dma_semaphore, #tpu.memory_space<semaphore_mem>>) src(%dma_wait3A_144 : memref<100000x1024xf32, #tpu.memory_space<hbm>>) dst(%arg9 : memref<40x1024xf32, #tpu.memory_space<vmem>>)
    %add3A_145 = arith.constant 3040 : i32
    %add3A_146 = arith.addi %add3A_6, %add3A_145 : i32
    %multiple_of3A_147 = tpu.assume_multiple %add3A_146, 8 : i32
    %dma_start3A_148 = arith.constant 0 : i32
    %dma_start3A_149 = tpu.memref_slice %arg4[%multiple_of3A_147, %dma_start3A_148] : memref<100000x1024xf32, #tpu.memory_space<hbm>> -> memref<40x1024xf32, #tpu.memory_space<hbm>>
    %dma_start3A_150 = arith.constant 0 : i32
    %dma_start3A_151 = tpu.memref_slice %arg4[%multiple_of3A_147, %dma_start3A_150] : memref<100000x1024xf32, #tpu.memory_space<hbm>> -> memref<40x1024xf32, #tpu.memory_space<hbm>>
    tpu.enqueue_dma source(%arg9 : memref<40x1024xf32, #tpu.memory_space<vmem>>) target(%dma_start3A_151 : memref<40x1024xf32, #tpu.memory_space<hbm>>) target_semaphore(%arg19 : memref<!tpu.dma_semaphore, #tpu.memory_space<semaphore_mem>>)
    %dma_wait3A_152 = arith.constant 0 : i32
    %dma_wait3A_153 = arith.constant 0 : i32
    %dma_wait3A_154 = tpu.memref_slice %arg2[%dma_wait3A_152, %dma_wait3A_153] : memref<100000x1024xf32, #tpu.memory_space<hbm>> -> memref<100000x1024xf32, #tpu.memory_space<hbm>>
    tpu.wait_indirect_dma semaphore(%arg17 : memref<!tpu.dma_semaphore, #tpu.memory_space<semaphore_mem>>) src(%dma_wait3A_154 : memref<100000x1024xf32, #tpu.memory_space<hbm>>) dst(%arg10 : memref<40x1024xf32, #tpu.memory_space<vmem>>)
    %add3A_155 = arith.constant 3080 : i32
    %add3A_156 = arith.addi %add3A_6, %add3A_155 : i32
    %multiple_of3A_157 = tpu.assume_multiple %add3A_156, 8 : i32
    %dma_start3A_158 = arith.constant 0 : i32
    %dma_start3A_159 = tpu.memref_slice %arg4[%multiple_of3A_157, %dma_start3A_158] : memref<100000x1024xf32, #tpu.memory_space<hbm>> -> memref<40x1024xf32, #tpu.memory_space<hbm>>
    %dma_start3A_160 = arith.constant 0 : i32
    %dma_start3A_161 = tpu.memref_slice %arg4[%multiple_of3A_157, %dma_start3A_160] : memref<100000x1024xf32, #tpu.memory_space<hbm>> -> memref<40x1024xf32, #tpu.memory_space<hbm>>
    tpu.enqueue_dma source(%arg10 : memref<40x1024xf32, #tpu.memory_space<vmem>>) target(%dma_start3A_161 : memref<40x1024xf32, #tpu.memory_space<hbm>>) target_semaphore(%arg20 : memref<!tpu.dma_semaphore, #tpu.memory_space<semaphore_mem>>)
    %dma_wait3A_162 = arith.constant 0 : i32
    %dma_wait3A_163 = arith.constant 0 : i32
    %dma_wait3A_164 = tpu.memref_slice %arg4[%dma_wait3A_162, %dma_wait3A_163] : memref<100000x1024xf32, #tpu.memory_space<hbm>> -> memref<40x1024xf32, #tpu.memory_space<hbm>>
    %dma_wait3A_165 = arith.constant 0 : i32
    %dma_wait3A_166 = arith.constant 0 : i32
    %dma_wait3A_167 = tpu.memref_slice %arg4[%dma_wait3A_165, %dma_wait3A_166] : memref<100000x1024xf32, #tpu.memory_space<hbm>> -> memref<40x1024xf32, #tpu.memory_space<hbm>>
    tpu.wait_dma2 semaphore(%arg18 : memref<!tpu.dma_semaphore, #tpu.memory_space<semaphore_mem>>) src(%arg8 : memref<40x1024xf32, #tpu.memory_space<vmem>>) dst(%dma_wait3A_167 : memref<40x1024xf32, #tpu.memory_space<hbm>>)
    %dma_wait3A_168 = arith.constant 0 : i32
    %dma_wait3A_169 = arith.constant 0 : i32
    %dma_wait3A_170 = tpu.memref_slice %arg4[%dma_wait3A_168, %dma_wait3A_169] : memref<100000x1024xf32, #tpu.memory_space<hbm>> -> memref<40x1024xf32, #tpu.memory_space<hbm>>
    %dma_wait3A_171 = arith.constant 0 : i32
    %dma_wait3A_172 = arith.constant 0 : i32
    %dma_wait3A_173 = tpu.memref_slice %arg4[%dma_wait3A_171, %dma_wait3A_172] : memref<100000x1024xf32, #tpu.memory_space<hbm>> -> memref<40x1024xf32, #tpu.memory_space<hbm>>
    tpu.wait_dma2 semaphore(%arg19 : memref<!tpu.dma_semaphore, #tpu.memory_space<semaphore_mem>>) src(%arg9 : memref<40x1024xf32, #tpu.memory_space<vmem>>) dst(%dma_wait3A_173 : memref<40x1024xf32, #tpu.memory_space<hbm>>)
    %dma_wait3A_174 = arith.constant 0 : i32
    %dma_wait3A_175 = arith.constant 0 : i32
    %dma_wait3A_176 = tpu.memref_slice %arg4[%dma_wait3A_174, %dma_wait3A_175] : memref<100000x1024xf32, #tpu.memory_space<hbm>> -> memref<40x1024xf32, #tpu.memory_space<hbm>>
    %dma_wait3A_177 = arith.constant 0 : i32
    %dma_wait3A_178 = arith.constant 0 : i32
    %dma_wait3A_179 = tpu.memref_slice %arg4[%dma_wait3A_177, %dma_wait3A_178] : memref<100000x1024xf32, #tpu.memory_space<hbm>> -> memref<40x1024xf32, #tpu.memory_space<hbm>>
    tpu.wait_dma2 semaphore(%arg20 : memref<!tpu.dma_semaphore, #tpu.memory_space<semaphore_mem>>) src(%arg10 : memref<40x1024xf32, #tpu.memory_space<vmem>>) dst(%dma_wait3A_179 : memref<40x1024xf32, #tpu.memory_space<hbm>>)
    return
  }
}

</mosaic_0001>

<sc_bundles>
// kernel: kernel.3.cloned.1.call-start
scs
__scs_entry_jumppad:
0x0: {  	(pc) =	sbr.rel $0x88, $3  }
0x1: {  	(tag) =	ssettag $0x0;
	lr =	simm.s32 $0x1  }
0x2: {  	[smem:$0x3F9F] =	sst lr;
	_ =	strace $0xD0000000  }
0x3: {  	_ = 	snop  }
0x4: {  	_ = 	snop  }
0x5: {  	_ = 	snop  }
0x6: {  	_ = 	snop  }
0x7: {  	_ = 	snop  }
__scs_overlays_trampoline_lowered:
0x8: {  	[smem:$0x3FAE] =	sst s0  }
0x9: {  	[smem:$0x3FAF] =	sst s1  }
0xa: {  	[smem:$0x3FB0] =	sst s2  }
0xb: {  	[smem:$0x3FB1] =	sst s3  }
0xc: {  	[smem:$0x3FB2] =	sst s4  }
0xd: {  	[smem:$0x3FB3] =	sst s5  }
0xe: {  	[smem:$0x3FB4] =	sst s6  }
0xf: {  	[smem:$0x3FB5] =	sst s7  }
0x10: {  	[smem:$0x3FB6] =	sst s8  }
0x11: {  	[smem:$0x3FB7] =	sst s9;
	s0 =	simm.s32 @!p0 $0x0  }
0x12: {  	s1 =	sld [smem:$0x3F9D];
	s0 =	simm.s32 @p0 $0x1  }
0x13: {  	[smem:$0x3FB8] =	sst s0;
	s0 =	simm.s32 @!p1 $0x0  }
0x14: {  	s2 =	sld [smem:$0x3F9C];
	s0 =	simm.s32 @p1 $0x1  }
0x15: {  	[smem:$0x3FB9] =	sst s0;
	s0 =	simm.s32 @!p2 $0x0  }
0x16: {  	s3 =	sld [smem:$0x3FDB];
	s0 =	simm.s32 @p2 $0x1  }
0x17: {  	s4 =	simm.s32 $0x1BF5;
	[smem:$0x3FBB] =	sst s0  }
0x18: {  	s0 =	sld [smem:$0x3F9E];
	_ =	swait.ge [sflag:s4], $0x0  }
0x19: {  	s7 =	sld [smem:$0x3F9F]  }
0x1a: {  	s8 =	sadd.s32 $0xFFFFE003, lr  }
0x1b: {  	s9 =	sadd.s32 $0xFFFFFEF7, lr;
	s5 =	simm.s32 $0xFFFFFFFF;
	p2 =	slt.u32 s8, $0xFFFFF086  }
0x1c: {  	p1 =	slt.u32 s9, $0xF7A;
	s5 =	simm.s32 @!p2 $0x0  }
0x1d: {  	s5 =	simm.s32 @p1 $0x1;
	p0 =	seq.s32 s7, s2  }
0x1e: {  	s7 =	smul.u32 @!p0 $0xF7A, s2;
	p2 =	seq.s32 @!p0 s5, $0x0  }
0x1f: {  	s9 =	smul.u32 $0xF7A, s1;
	s8 =	simm.s32 @!p0 $0x1BF5;
	p2 =	por !p2, p0  }
0x20: {  	[sflag:s8] =	ssyncset.s32 @!p0 $0xFFFFF086;
	s6 =	sadd.s32 @!p0 s3, s7;
	s7 =	simm.s32 @!p0 $0x108  }
0x21: {  	s3 =	sadd.s32 s3, s9;
	s6 =	sadd.s32 @!p0 $0x88, s6;
	s7 =	simm.s32 @p2 $0x1082  }
0x22: {  	[simem:s7], [sflag:s8] =	dma.local @!p0 [hbm:s6], $0xF7A  }
0x23: {  	s9 =	sor.u32 $0xD0000000, s2;
	s6 =	simm.s32 $0x108;
	_ =	swait.ge @!p0 [sflag:s8], $0x0  }
0x24: {  	s3 =	sadd.s32 $0x88, s3;
	s6 =	simm.s32 @!p1 $0x1082;
	[sflag:s4] =	ssyncset.s32 $0xFFFFF086  }
0x25: {  	[simem:s6], [sflag:s4] =	dma.local [hbm:s3], $0xF7A  }
0x26: {  	[smem:$0x3F9F] =	sst s1;
	(tag) =	ssettag s2;
	_ =	strace s9  }
0x27: {  	s1 =	sld [smem:$0x3FAF]  }
0x28: {  	s2 =	sld [smem:$0x3FB0]  }
0x29: {  	s4 =	sld [smem:$0x3FB2]  }
0x2a: {  	p0 =	seq.s32 s5, $0x0;
	s5 =	sld [smem:$0x3FB3]  }
0x2b: {  	s6 =	sld [smem:$0x3FB4]  }
0x2c: {  	s7 =	sld [smem:$0x3FB5]  }
0x2d: {  	s3 =	simm.s32 $0x108;
	s8 =	sld [smem:$0x3FB6]  }
0x2e: {  	s3 =	simm.s32 @!p0 $0x1082;
	s9 =	sld [smem:$0x3FB7]  }
0x2f: {  	lr =	sadd.s32 s0, s3;
	s0 =	sld [smem:$0x3FAE]  }
0x30: {  	s3 =	sld [smem:$0x3FB1]  }
0x31: {  	[smem:$0x3FBA] =	sst s10  }
0x32: {  	s10 =	sld [smem:$0x3FB8];
	_ =	sdelay $0x3  }
0x33: {  	p0 =	seq.s32 s10, $0x1;
	s10 =	sld [smem:$0x3FBA];
	_ =	sdelay $0x3  }
0x34: {  	[smem:$0x3FBA] =	sst s10  }
0x35: {  	s10 =	sld [smem:$0x3FB9];
	_ =	sdelay $0x3  }
0x36: {  	p1 =	seq.s32 s10, $0x1;
	s10 =	sld [smem:$0x3FBA];
	_ =	sdelay $0x3  }
0x37: {  	[smem:$0x3FBA] =	sst s10  }
0x38: {  	s10 =	sld [smem:$0x3FBB]  }
0x39: {  	_ = 	snop;
	(pc) =	sbr.ind lr, $3  }
0x3a: {  	_ = 	snop  }
0x3b: {  	_ = 	snop  }
0x3c: {  	p2 =	seq.s32 s10, $0x1;
	s10 =	sld [smem:$0x3FBA]  }
0x3d: {  	_ =	shalt  }
0x3e: {  	_ =	shalt  }
0x3f: {  	_ =	shalt  }
0x40: {  	_ =	shalt  }
0x41: {  	_ =	shalt  }
0x42: {  	_ =	shalt  }
0x43: {  	_ =	shalt  }
0x44: {  	_ =	shalt  }
0x45: {  	_ =	shalt  }
0x46: {  	_ =	shalt  }
0x47: {  	_ =	shalt  }
0x48: {  	_ =	shalt  }
0x49: {  	_ =	shalt  }
0x4a: {  	_ =	shalt  }
0x4b: {  	_ =	shalt  }
0x4c: {  	_ =	shalt  }
0x4d: {  	_ =	shalt  }
0x4e: {  	_ =	shalt  }
0x4f: {  	_ =	shalt  }
0x50: {  	_ =	shalt  }
0x51: {  	_ =	shalt  }
0x52: {  	_ =	shalt  }
0x53: {  	_ =	shalt  }
0x54: {  	_ =	shalt  }
0x55: {  	_ =	shalt  }
0x56: {  	_ =	shalt  }
0x57: {  	_ =	shalt  }
0x58: {  	_ =	shalt  }
0x59: {  	_ =	shalt  }
0x5a: {  	_ =	shalt  }
0x5b: {  	_ =	shalt  }
0x5c: {  	_ =	shalt  }
0x5d: {  	_ =	shalt  }
0x5e: {  	_ =	shalt  }
0x5f: {  	_ =	shalt  }
0x60: {  	_ =	shalt  }
0x61: {  	_ =	shalt  }
0x62: {  	_ =	shalt  }
0x63: {  	_ =	shalt  }
0x64: {  	_ =	shalt  }
0x65: {  	_ =	shalt  }
0x66: {  	_ =	shalt  }
0x67: {  	_ =	shalt  }
0x68: {  	_ =	shalt  }
0x69: {  	_ =	shalt  }
0x6a: {  	_ =	shalt  }
0x6b: {  	_ =	shalt  }
0x6c: {  	_ =	shalt  }
0x6d: {  	_ =	shalt  }
0x6e: {  	_ =	shalt  }
0x6f: {  	_ =	shalt  }
0x70: {  	_ =	shalt  }
0x71: {  	_ =	shalt  }
0x72: {  	_ =	shalt  }
0x73: {  	_ =	shalt  }
0x74: {  	_ =	shalt  }
0x75: {  	_ =	shalt  }
0x76: {  	_ =	shalt  }
0x77: {  	_ =	shalt  }
0x78: {  	_ =	shalt  }
0x79: {  	_ =	shalt  }
0x7a: {  	_ =	shalt  }
0x7b: {  	_ =	shalt  }
0x7c: {  	_ =	shalt  }
0x7d: {  	_ =	shalt  }
0x7e: {  	_ =	shalt  }
0x7f: {  	_ =	shalt  }
0x80: {  	_ =	shalt  }
0x81: {  	_ =	shalt  }
0x82: {  	_ =	shalt  }
0x83: {  	_ =	shalt  }
0x84: {  	_ =	shalt  }
0x85: {  	_ =	shalt  }
0x86: {  	_ =	shalt  }
0x87: {  	_ =	shalt  }
.Lfunc_end0:
.L_simem_size_0:
called_computation_lowered:
.L_overlay_start_0:
0x88: {  	s2 =	sld [smem:$0x3FD9]  }
0x89: {  	s3 =	sld [smem:$0x3FFE];
	_ =	sdelay $0x1  }
0x8a: {  	s1 =	srdreg.scid  }
0x8b: {  	s0 =	sand.u32 $0x1, s1  }
0x8c: {  	s17 =	sshll.u32 s0, $0xA;
	s2 =	sadd.s32 s3, s2  }
0x8d: {  	s2 =	sadd.s32 s2, s17  }
0x8e: {  	[smem:$0x3FC6] =	sst s2  }
0x8f: {  	_ = 	snop  }
0x90: {  	s2 =	sld [smem:$0x3FC9]  }
0x91: {  	s18 =	sld [smem:$0x3FD0];
	(tm) =	ssettm $0x1  }
0x92: {  	s4 =	sld [smem:$0x3FFB];
	_ =	sdelay $0x3  }
0x93: {  	_ =	strace s4  }
0x94: {  	s4 =	sld [smem:$0x3FFC];
	_ =	sdelay $0x3  }
0x95: {  	_ =	strace s4  }
0x96: {  	s4 =	sld [smem:$0x3FFD];
	_ =	sdelay $0x3  }
0x97: {  	_ =	strace s4  }
0x98: {  	_ =	strace $0x8FFFFFFF  }
0x99: {  	s19 =	sld [smem:$0x3FDB];
	_ =	sdelay $0x1  }
0x9a: {  	s5 =	simm.s32 $_scs_section_size  }
0x9b: {  	s6 =	simm.s32 $_size__tile_overlayer_lowered;
	s7 =	simm.s32 $_tile_overlayer_lowered  }
0x9c: {  	s22 =	simm.s32 $0x1BFF;
	s21 =	sshll.u32 s7, $0x1;
	s4 =	sadd.s32 s5, s19  }
0x9d: {  	s8 =	simm.s32 $0x0;
	s20 =	sshll.u32 s6, $0x1;
	s6 =	sadd.s32 s21, s4  }
0x9e: {  	[timem:s8], [sflag:s22] =	dma.local [hbm:s6], s20  }
0x9f: {  	_ =	swait.ge [sflag:s22], s20  }
0xa0: {  	s5 =	ssub.s32 $0x0, s20;
	[sflag:s22] =	ssyncset.done $0x0  }
0xa1: {  	[sflag:s22] =	ssyncadd.s32 s5;
	_ =	sdelay $0x1  }
0xa2: {  	s23 =	simm.s32 $0x1B8B  }
0xa3: {  	_ =	swait.ge [sflag:s23], $0x1  }
0xa4: {  	[sflag:s23] =	ssyncset.done $0x0  }
0xa5: {  	s25 =	simm.s32 $0x1B8E;
	s24 =	sld [smem:$0x3FFE];
	[sflag:s23] =	ssyncadd.s32 $0xFFFFFFFF  }
0xa6: {  	s26 =	simm.s32 $execute0_lowered;
	[smem:$0x3FD2] =	sst s25  }
0xa7: {  	s6 =	sshll.u32 s26, $0x1;
	_ =	strace $0x80000046;
	[dreg:$0x1] =	wrdreg $0xFFFFFFFF  }
0xa8: {  	s28 =	simm.s32 $_size_execute0_lowered;
	s4 =	sadd.s32 s4, s6;
	[dreg:$0x0] =	wrdreg $0x0  }
0xa9: {  	s6 =	sshll.u32 s28, $0x1;
	[dreg:$0x2] =	wrdreg s4  }
0xaa: {  	[dreg:$0x3] =	wrdreg s6  }
0xab: {  	[dreg:$0x4] =	wrdreg $0xC0  }
0xac: {  	_ =	task [dreg:s8], $0x5FFFF  }
0xad: {  	[dreg:$0x1] =	wrdreg $0xFFFFFFFF  }
0xae: {  	[dreg:$0x0] =	wrdreg $0x60  }
0xaf: {  	[dreg:$0x2] =	wrdreg s2  }
0xb0: {  	[dreg:$0x3] =	wrdreg s24  }
0xb1: {  	[dreg:$0x4] =	wrdreg s18  }
0xb2: {  	[dreg:$0x5] =	wrdreg $0x9  }
0xb3: {  	_ =	task.clear_ibuf [dreg:s8], $0x6FFFF;
	_ =	strace $0x90000046  }
0xb4: {  	s29 =	simm.s32 $0x9;
	_ =	strace $0x80000048  }
0xb5: {  	_ =	swait.ge [sflag:s29], $0x1  }
0xb6: {  	[sflag:s29] =	ssyncadd.s32 $0xFFFFFFFF  }
0xb7: {  	_ =	strace $0x90000048  }
0xb8: {  	_ =	sfence  }
0xb9: {  	s30 =	sld [smem:$0x0];
	_ =	sdelay $0x2  }
0xba: {  	s31 =	sshll.u32 s1, $0xD;
	s1 =	sshrl.u32 s1, $0x2  }
0xbb: {  	s3 =	sand.u32 $0x4000, s31;
	s1 =	sadd.s32 s1, s30  }
0xbc: {  	s0 =	sor.u32 s3, s0;
	s1 =	sshll.u32 s1, $0x11  }
0xbd: {  	s0 =	sor.u32 s1, s0  }
0xbe: {  	s0 =	sadd.s32 $0x8F2B, s0  }
0xbf: {  	[sflag:s0] =	ssyncadd.remote.s32 $0x1  }
0xc0: {  	_ =	sfence.sel $0xFFFF  }
0xc1: {  	[dreg:$0x0] =	wrdreg $0xFFFFFFFF;
	(pc) =	sbr.abs _section_cstart, $3  }
0xc2: {  	[dreg:$0x1] =	wrdreg $0xFFFFFFFF  }
0xc3: {  	_ =	task.clear_ibuf [dreg:s8], $0x2FFFF;
	_ =	strace $0x9FFFFFFF  }
0xc4: {  	(tm) =	ssettm $0x7FFFFFFF  }
0xc5: {  	_ =	shalt  }
tec
execute0_lowered:
.L_overlay_start_1:
0x0: {  	(tag) =	ssettag $0x1  }
0x1: {  	s1 =	rddreg [dreg:$0x0]  }
0x2: {  	s0 =	srdreg.scid;
	s4 =	rddreg [dreg:$0x1]  }
0x3: {  	s17 =	stileid.u32;
	s8 =	rddreg [dreg:$0x2]  }
0x4: {  	s3 =	simm.s32 $0x0;
	s28 =	simm.s32 $0x8;
	s29 =	simm.s32 $0x9  }
0x5: {  	s0 =	sand.u32 $0x1, s0;
	s2 =	sshll.u32 s17, $0x1;
	[smem:$0x7FF] =	sst s3  }
0x6: {  	s4 =	sadd.s32 $0x400, s4;
	s15 =	smul.u32 $0x1860, s17;
	p0 =	sgt.u32 s17, $0x9  }
0x7: {  	s2 =	sor.u32 s0, s2;
	_ =	strace $0x80000047;
	s16 =	smul.u32 $0xC30, s0  }
0x8: {  	s20 =	ssub.s32 $0x2, s0;
	s5 =	smul.u32 $0xC30, s2;
	s2 =	smin.u32 s2, $0x14  }
0x9: {  	s0 =	smul.u32 $0x61800, s0;
	s6 =	sshrl.u32 s20, $0x1;
	s9 =	sshll.u32 s2, $0x3  }
0xa: {  	s12 =	ssub.s32 s20, s6;
	s6 =	sadd.s32 $0x200, s1;
	s15 =	sadd.s32 s16, s15  }
0xb: {  	s2 =	sshll.u32 s2, $0xA;
	s16 =	simm.s32 $0x1C980;
	s10 =	sadd.s32 s5, s9  }
0xc: {  	s5 =	sadd.s32 $0x100, s1;
	s9 =	sadd.s32 s9, s15;
	s11 =	sadd.s32 $0xC30, s10  }
0xd: {  	s13 =	sshrl.u32 s10, $0x3;
	s14 =	sadd.s32 $0x28, s10;
	s25 =	sshll.u32 s10, $0x7  }
0xe: {  	s26 =	sadd.s32 $0x78, s10;
	s10 =	sadd.s32 $0xC08, s10;
	s7 =	sshrl.u32 s11, $0x3  }
0xf: {  	s11 =	sshll.u32 s11, $0x7;
	s18 =	sadd.s32 s4, s13;
	s22 =	sshrl.u32 s14, $0x3  }
0x10: {  	s30 =	sadd.s32 s8, s25;
	s31 =	sshrl.u32 s26, $0x3;
	[dreg:$0x8] =	wrdreg s18  }
0x11: {  	s13 =	sshll.u32 s14, $0x7;
	s21 =	sadd.s32 s4, s7;
	[dreg:$0xc] =	wrdreg s30  }
0x12: {  	s14 =	sadd.s32 $0x118, s9;
	s11 =	sadd.s32 s8, s11;
	[dreg:$0x7] =	wrdreg s21  }
0x13: {  	s20 =	sshrl.u32 s10, $0x3;
	s23 =	sadd.s32 s4, s22;
	[dreg:$0x9] =	wrdreg s11  }
0x14: {  	s10 =	sshll.u32 s10, $0x7;
	s24 =	sadd.s32 $0xA, s18;
	[dreg:$0xa] =	wrdreg s23  }
0x15: {  	s25 =	sadd.s32 $0xC8, s9;
	s15 =	sadd.s32 $0x14, s18;
	[dreg:$0xb] =	wrdreg s24  }
0x16: {  	s7 =	sadd.s32 $0x300, s1;
	s19 =	sadd.s32 $0x5C800, s30;
	[dreg:$0xf] =	wrdreg s15  }
0x17: {  	s18 =	sshrl.u32 s14, $0x3;
	s10 =	sadd.s32 s8, s10;
	[dreg:$0x10] =	wrdreg s19  }
0x18: {  	s22 =	sadd.s32 $0x5DC00, s30;
	s26 =	sadd.s32 $0x5F000, s30;
	[dreg:$0x12] =	wrdreg s10  }
0x19: {  	s30 =	smax.u32 s12, $0x1;
	s14 =	simm.s32 $0x1B980;
	[dreg:$0x13] =	wrdreg s22  }
0x1a: {  	s12 =	simm.s32 $0x5;
	s11 =	sadd.s32 s4, s31;
	[dreg:$0x14] =	wrdreg s26  }
0x1b: {  	s21 =	smul.u32 $0xC3000, s17;
	s23 =	sadd.s32 $0xF0, s9;
	[dreg:$0x15] =	wrdreg s30  }
0x1c: {  	s26 =	simm.s32 $0x180;
	s22 =	simm.s32 $0xA180;
	s19 =	simm.s32 $0x4  }
0x1d: {  	s9 =	simm.s32 $0x19980;
	s10 =	simm.s32 $0x1A180;
	s15 =	simm.s32 $0x1C180  }
0x1e: {  	s17 =	simm.s32 $0x1D180;
	[dreg:$0xd] =	wrdreg s11;
	s11 =	sadd.s32 s8, s13  }
0x1f: {  	s13 =	sadd.s32 s4, s20;
	s24 =	sshrl.u32 s23, $0x3;
	s20 =	simm.s32 $0x3  }
0x20: {  	s23 =	simm.s32 $0x7;
	[dreg:$0xe] =	wrdreg s11;
	s11 =	sadd.s32 s18, s4  }
0x21: {  	[dreg:$0x11] =	wrdreg s13;
	s8 =	sadd.s32 s21, s8;
	s21 =	simm.s32 $0x14180  }
0x22: {  	s13 =	simm.s32 $0x1B180;
	s18 =	simm.s32 $0x1D980;
	[dreg:$0x4] =	wrdreg s11  }
0x23: {  	s0 =	sadd.s32 s0, s8;
	s8 =	sshrl.u32 s25, $0x3;
	s25 =	simm.s32 $0x1  }
0x24: {  	s11 =	simm.s32 $0x1A980;
	s0 =	sadd.s32 s2, s0;
	s2 =	sadd.s32 s24, s4  }
0x25: {  	v2 =	vlaneseq.u32;
	s31 =	sadd.s32 s8, s4;
	s8 =	simm.s32 $0x2;
	[dreg:$0x5] =	wrdreg s2  }
0x26: {  	vm1 =	vmmov $0xffff;
	v0 =	vand.u32 $0x7, v2;
	v1 =	vshrl.u32 v2, $0x3;
	s24 =	simm.s32 $0x6;
	s0 =	sadd.s32 $0x5000, s0;
	[dreg:$0x6] =	wrdreg s31  }
0x27: {  	v2 =	vor.u32 $0x8, v2;
	vm0 =	vmmov @!p0 $0xffff;
	v1 =	vmul.u32 $0x8, v1;
	s4 =	simm.s32 $0x80;
	s2 =	simm.s32 $0x0;
	[dreg:$0x16] =	wrdreg s0  }
.LBB2_1:
0x28: {  	s30 =	simm.s32 @!p0 $0x0;
	s31 =	simm.s32 @!p0 $0x1E180;
	s0 =	rddreg [dreg:$0x7]  }
0x29: {  	[tilespmem:s31], [sflag:$0xA] =	stream.linear.gather @!p0 [hbm4b:s0+s30], $0x8, $0x38;
	[tilespmem:$0x1E200] =	vst v63  }
0x2a: {  	[dreg:$0x17] =	wrdreg s2;
	s31 =	simm.s32 @!p0 $0xA  }
0x2b: {  	_ =	swait.ge @!p0 [sflag:s31], $0x8  }
0x2c: {  	[sflag:s31] =	ssyncset.done @!p0 $0x0  }
0x2d: {  	[sflag:s31] =	ssyncadd.s32 @!p0 $0xFFFFFFF8  }
0x2e: {  	v3 =	vld.msk @!p0 [tilespmem:$0x1E180], $0xff;
	_ =	sdelay $0x4  }
0x2f: {  	v4 =	vshll.u32 @!p0 v3, $0x3  }
0x30: {  	v5 =	vlaneseq.u32 @!p0;
	v3 =	vand.u32 @!p0 $0x7, v3;
	v4 =	vand.u32 @!p0 $0xFFFFFFC0, v4  }
0x31: {  	v3 =	vor.u32 @!p0 v3, v4;
	v4 =	vand.u32 @!p0 $0x7, v5;
	v5 =	vshrl.u32 @!p0 v5, $0x3  }
0x32: {  	v3 =	vperm.xlane @!p0 v3, v4;
	v4 =	vmul.u32 @!p0 $0x8, v5;
	_ =	sdelay $0x1  }
0x33: {  	v3 =	vadd.s32 @!p0 v4, v3;
	_ =	sdelay $0x3  }
0x34: {  	s2 =	simm.s32 @!p0 $0x180  }
0x35: {  	[tilespmem:s2], [sflag:$0x4] =	stream.indirect_vreg.gather @!p0 [hbm4b:s1+s30], $0x80, v3, vm0, $0xb8;
	[tilespmem:$0x1E200] =	vst v63  }
0x36: {  	s0 =	simm.s32 @!p0 $0x980  }
0x37: {  	[tilespmem:s0], [sflag:$0x4] =	stream.indirect_vreg.gather @!p0 [hbm4b:s5+s30], $0x80, v3, vm0, $0xb8;
	[tilespmem:$0x1E200] =	vst v63  }
0x38: {  	s0 =	simm.s32 @!p0 $0x1180  }
0x39: {  	[tilespmem:s0], [sflag:$0x4] =	stream.indirect_vreg.gather @!p0 [hbm4b:s6+s30], $0x80, v3, vm0, $0xb8;
	[tilespmem:$0x1E200] =	vst v63  }
0x3a: {  	s0 =	simm.s32 @!p0 $0x1980  }
0x3b: {  	[tilespmem:s0], [sflag:$0x4] =	stream.indirect_vreg.gather @!p0 [hbm4b:s7+s30], $0x80, v3, vm0, $0xb8;
	[tilespmem:$0x1E200] =	vst v63  }
0x3c: {  	s0 =	simm.s32 @!p0 $0x4  }
0x3d: {  	_ =	swait.ge @!p0 [sflag:s0], $0x2000  }
0x3e: {  	[sflag:s0] =	ssyncset.done @!p0 $0x0  }
0x3f: {  	[sflag:s0] =	ssyncadd.s32 @!p0 $0xFFFFE000;
	s0 =	rddreg [dreg:$0x9]  }
0x40: {  	[hbm4b:s0+s30] =	stream.linear.scatter @!p0 [tilespmem:s2], [sflag:$0xA], $0x2000, $0x38;
	[tilespmem:$0x1E200] =	vst v63  }
0x41: {  	_ =	swait.ge @!p0 [sflag:s31], $0x2000  }
0x42: {  	[sflag:s31] =	ssyncset.done @!p0 $0x0  }
0x43: {  	s2 =	rddreg [dreg:$0x8];
	[sflag:s31] =	ssyncadd.s32 @!p0 $0xFFFFE000  }
0x44: {  	[tilespmem:s3], [sflag:$0x1] =	stream.linear.gather [hbm4b:s2+s3], $0x28, $0x38;
	[tilespmem:$0x1E200] =	vst v63  }
0x45: {  	s2 =	rddreg [dreg:$0xa]  }
0x46: {  	[tilespmem:s4], [sflag:$0x2] =	stream.linear.gather [hbm4b:s2+s3], $0x28, $0x38;
	[tilespmem:$0x1E200] =	vst v63  }
0x47: {  	s0 =	rddreg [dreg:$0xb];
	s2 =	simm.s32 $0x100  }
0x48: {  	[tilespmem:s2], [sflag:$0x3] =	stream.linear.gather [hbm4b:s0+s3], $0x28, $0x38;
	[tilespmem:$0x1E200] =	vst v63  }
0x49: {  	_ =	swait.ge [sflag:s25], $0x28  }
0x4a: {  	[sflag:s25] =	ssyncset.done $0x0  }
0x4b: {  	[sflag:s25] =	ssyncadd.s32 $0xFFFFFFD8  }
0x4c: {  	v3 =	vld [tilespmem:$0x0];
	_ =	sdelay $0x4  }
0x4d: {  	v55 =	vshll.u32 v3, $0x3  }
0x4e: {  	v3 =	vand.u32 $0x7, v3;
	v4 =	vand.u32 $0xFFFFFFC0, v55  }
0x4f: {  	v3 =	vor.u32 v3, v4  }
0x50: {  	v4 =	vperm.xlane v3, v0;
	_ =	sdelay $0x1  }
0x51: {  	v4 =	vadd.s32 v1, v4;
	_ =	sdelay $0x4  }
0x52: {  	[tilespmem:s26], [sflag:$0x4] =	stream.indirect_vreg.gather [hbm4b:s1+s3], $0x80, v4, vm1, $0xb8;
	[tilespmem:$0x1E200] =	vst v63  }
0x53: {  	s2 =	simm.s32 $0x980;
	v3 =	vperm.xlane v3, v2  }
0x54: {  	[tilespmem:s2], [sflag:$0x4] =	stream.indirect_vreg.gather [hbm4b:s5+s3], $0x80, v4, vm1, $0xb8;
	[tilespmem:$0x1E200] =	vst v63  }
0x55: {  	v3 =	vadd.s32 v1, v3;
	s2 =	simm.s32 $0x1180  }
0x56: {  	[tilespmem:s2], [sflag:$0x4] =	stream.indirect_vreg.gather [hbm4b:s6+s3], $0x80, v4, vm1, $0xb8;
	[tilespmem:$0x1E200] =	vst v63  }
0x57: {  	s2 =	simm.s32 $0x1980  }
0x58: {  	[tilespmem:s2], [sflag:$0x4] =	stream.indirect_vreg.gather [hbm4b:s7+s3], $0x80, v4, vm1, $0xb8;
	[tilespmem:$0x1E200] =	vst v63  }
0x59: {  	s2 =	simm.s32 $0x2180  }
0x5a: {  	[tilespmem:s2], [sflag:$0x4] =	stream.indirect_vreg.gather [hbm4b:s1+s3], $0x80, v3, vm1, $0xb8;
	[tilespmem:$0x1E200] =	vst v63  }
0x5b: {  	s2 =	simm.s32 $0x2980  }
0x5c: {  	[tilespmem:s2], [sflag:$0x4] =	stream.indirect_vreg.gather [hbm4b:s5+s3], $0x80, v3, vm1, $0xb8;
	[tilespmem:$0x1E200] =	vst v63  }
0x5d: {  	s2 =	simm.s32 $0x3180  }
0x5e: {  	[tilespmem:s2], [sflag:$0x4] =	stream.indirect_vreg.gather [hbm4b:s6+s3], $0x80, v3, vm1, $0xb8;
	[tilespmem:$0x1E200] =	vst v63  }
0x5f: {  	s2 =	simm.s32 $0x3980  }
0x60: {  	[tilespmem:s2], [sflag:$0x4] =	stream.indirect_vreg.gather [hbm4b:s7+s3], $0x80, v3, vm1, $0xb8;
	[tilespmem:$0x1E200] =	vst v63  }
0x61: {  	v3 =	vld [tilespmem:$0x10];
	_ =	sdelay $0x4  }
0x62: {  	v56 =	vshll.u32 v3, $0x3  }
0x63: {  	v3 =	vand.u32 $0x7, v3;
	v4 =	vand.u32 $0xFFFFFFC0, v56  }
0x64: {  	v3 =	vor.u32 v3, v4  }
0x65: {  	v4 =	vperm.xlane v3, v0;
	_ =	sdelay $0x1  }
0x66: {  	v4 =	vadd.s32 v1, v4;
	_ =	sdelay $0x3  }
0x67: {  	s2 =	simm.s32 $0x4180  }
0x68: {  	[tilespmem:s2], [sflag:$0x4] =	stream.indirect_vreg.gather [hbm4b:s1+s3], $0x80, v4, vm1, $0xb8;
	[tilespmem:$0x1E200] =	vst v63  }
0x69: {  	v3 =	vperm.xlane v3, v2;
	s2 =	simm.s32 $0x4980  }
0x6a: {  	[tilespmem:s2], [sflag:$0x4] =	stream.indirect_vreg.gather [hbm4b:s5+s3], $0x80, v4, vm1, $0xb8;
	[tilespmem:$0x1E200] =	vst v63  }
0x6b: {  	v3 =	vadd.s32 v1, v3;
	s2 =	simm.s32 $0x5180  }
0x6c: {  	[tilespmem:s2], [sflag:$0x4] =	stream.indirect_vreg.gather [hbm4b:s6+s3], $0x80, v4, vm1, $0xb8;
	[tilespmem:$0x1E200] =	vst v63  }
0x6d: {  	s2 =	simm.s32 $0x5980  }
0x6e: {  	[tilespmem:s2], [sflag:$0x4] =	stream.indirect_vreg.gather [hbm4b:s7+s3], $0x80, v4, vm1, $0xb8;
	[tilespmem:$0x1E200] =	vst v63  }
0x6f: {  	s2 =	simm.s32 $0x6180  }
0x70: {  	[tilespmem:s2], [sflag:$0x4] =	stream.indirect_vreg.gather [hbm4b:s1+s3], $0x80, v3, vm1, $0xb8;
	[tilespmem:$0x1E200] =	vst v63  }
0x71: {  	s2 =	simm.s32 $0x6980  }
0x72: {  	[tilespmem:s2], [sflag:$0x4] =	stream.indirect_vreg.gather [hbm4b:s5+s3], $0x80, v3, vm1, $0xb8;
	[tilespmem:$0x1E200] =	vst v63  }
0x73: {  	s2 =	simm.s32 $0x7180  }
0x74: {  	[tilespmem:s2], [sflag:$0x4] =	stream.indirect_vreg.gather [hbm4b:s6+s3], $0x80, v3, vm1, $0xb8;
	[tilespmem:$0x1E200] =	vst v63  }
0x75: {  	s2 =	simm.s32 $0x7980  }
0x76: {  	[tilespmem:s2], [sflag:$0x4] =	stream.indirect_vreg.gather [hbm4b:s7+s3], $0x80, v3, vm1, $0xb8;
	[tilespmem:$0x1E200] =	vst v63  }
0x77: {  	v3 =	vld.msk [tilespmem:$0x20], $0xff;
	_ =	sdelay $0x4  }
0x78: {  	v57 =	vshll.u32 v3, $0x3  }
0x79: {  	v3 =	vand.u32 $0x7, v3;
	v4 =	vand.u32 $0xFFFFFFC0, v57  }
0x7a: {  	v3 =	vor.u32 v3, v4  }
0x7b: {  	v3 =	vperm.xlane v3, v0;
	_ =	sdelay $0x1  }
0x7c: {  	v3 =	vadd.s32 v1, v3;
	_ =	sdelay $0x3  }
0x7d: {  	s2 =	simm.s32 $0x8180  }
0x7e: {  	[tilespmem:s2], [sflag:$0x4] =	stream.indirect_vreg.gather [hbm4b:s1+s3], $0x80, v3, vm1, $0xb8;
	[tilespmem:$0x1E200] =	vst v63  }
0x7f: {  	s2 =	simm.s32 $0x8980  }
0x80: {  	[tilespmem:s2], [sflag:$0x4] =	stream.indirect_vreg.gather [hbm4b:s5+s3], $0x80, v3, vm1, $0xb8;
	[tilespmem:$0x1E200] =	vst v63  }
0x81: {  	s2 =	simm.s32 $0x9180  }
0x82: {  	[tilespmem:s2], [sflag:$0x4] =	stream.indirect_vreg.gather [hbm4b:s6+s3], $0x80, v3, vm1, $0xb8;
	[tilespmem:$0x1E200] =	vst v63  }
0x83: {  	s2 =	simm.s32 $0x9980  }
0x84: {  	[tilespmem:s2], [sflag:$0x4] =	stream.indirect_vreg.gather [hbm4b:s7+s3], $0x80, v3, vm1, $0xb8;
	[tilespmem:$0x1E200] =	vst v63  }
0x85: {  	_ =	swait.ge [sflag:s8], $0x28  }
0x86: {  	[sflag:s8] =	ssyncset.done $0x0  }
0x87: {  	[sflag:s8] =	ssyncadd.s32 $0xFFFFFFD8  }
0x88: {  	v3 =	vld [tilespmem:$0x80];
	_ =	sdelay $0x4  }
0x89: {  	v58 =	vshll.u32 v3, $0x3  }
0x8a: {  	v3 =	vand.u32 $0x7, v3;
	v4 =	vand.u32 $0xFFFFFFC0, v58  }
0x8b: {  	v3 =	vor.u32 v3, v4  }
0x8c: {  	v4 =	vperm.xlane v3, v0;
	_ =	sdelay $0x1  }
0x8d: {  	v4 =	vadd.s32 v1, v4;
	_ =	sdelay $0x4  }
0x8e: {  	[tilespmem:s22], [sflag:$0x5] =	stream.indirect_vreg.gather [hbm4b:s1+s3], $0x80, v4, vm1, $0xb8;
	[tilespmem:$0x1E200] =	vst v63  }
0x8f: {  	s2 =	simm.s32 $0xA980;
	v3 =	vperm.xlane v3, v2  }
0x90: {  	[tilespmem:s2], [sflag:$0x5] =	stream.indirect_vreg.gather [hbm4b:s5+s3], $0x80, v4, vm1, $0xb8;
	[tilespmem:$0x1E200] =	vst v63  }
0x91: {  	v3 =	vadd.s32 v1, v3;
	s2 =	simm.s32 $0xB180  }
0x92: {  	[tilespmem:s2], [sflag:$0x5] =	stream.indirect_vreg.gather [hbm4b:s6+s3], $0x80, v4, vm1, $0xb8;
	[tilespmem:$0x1E200] =	vst v63  }
0x93: {  	s2 =	simm.s32 $0xB980  }
0x94: {  	[tilespmem:s2], [sflag:$0x5] =	stream.indirect_vreg.gather [hbm4b:s7+s3], $0x80, v4, vm1, $0xb8;
	[tilespmem:$0x1E200] =	vst v63  }
0x95: {  	s2 =	simm.s32 $0xC180  }
0x96: {  	[tilespmem:s2], [sflag:$0x5] =	stream.indirect_vreg.gather [hbm4b:s1+s3], $0x80, v3, vm1, $0xb8;
	[tilespmem:$0x1E200] =	vst v63  }
0x97: {  	s2 =	simm.s32 $0xC980  }
0x98: {  	[tilespmem:s2], [sflag:$0x5] =	stream.indirect_vreg.gather [hbm4b:s5+s3], $0x80, v3, vm1, $0xb8;
	[tilespmem:$0x1E200] =	vst v63  }
0x99: {  	s2 =	simm.s32 $0xD180  }
0x9a: {  	[tilespmem:s2], [sflag:$0x5] =	stream.indirect_vreg.gather [hbm4b:s6+s3], $0x80, v3, vm1, $0xb8;
	[tilespmem:$0x1E200] =	vst v63  }
0x9b: {  	s2 =	simm.s32 $0xD980  }
0x9c: {  	[tilespmem:s2], [sflag:$0x5] =	stream.indirect_vreg.gather [hbm4b:s7+s3], $0x80, v3, vm1, $0xb8;
	[tilespmem:$0x1E200] =	vst v63  }
0x9d: {  	v3 =	vld [tilespmem:$0x90];
	_ =	sdelay $0x4  }
0x9e: {  	v59 =	vshll.u32 v3, $0x3  }
0x9f: {  	v3 =	vand.u32 $0x7, v3;
	v4 =	vand.u32 $0xFFFFFFC0, v59  }
0xa0: {  	v3 =	vor.u32 v3, v4  }
0xa1: {  	v4 =	vperm.xlane v3, v0;
	_ =	sdelay $0x1  }
0xa2: {  	v4 =	vadd.s32 v1, v4;
	_ =	sdelay $0x3  }
0xa3: {  	s2 =	simm.s32 $0xE180  }
0xa4: {  	[tilespmem:s2], [sflag:$0x5] =	stream.indirect_vreg.gather [hbm4b:s1+s3], $0x80, v4, vm1, $0xb8;
	[tilespmem:$0x1E200] =	vst v63  }
0xa5: {  	v3 =	vperm.xlane v3, v2;
	s2 =	simm.s32 $0xE980  }
0xa6: {  	[tilespmem:s2], [sflag:$0x5] =	stream.indirect_vreg.gather [hbm4b:s5+s3], $0x80, v4, vm1, $0xb8;
	[tilespmem:$0x1E200] =	vst v63  }
0xa7: {  	v3 =	vadd.s32 v1, v3;
	s2 =	simm.s32 $0xF180  }
0xa8: {  	[tilespmem:s2], [sflag:$0x5] =	stream.indirect_vreg.gather [hbm4b:s6+s3], $0x80, v4, vm1, $0xb8;
	[tilespmem:$0x1E200] =	vst v63  }
0xa9: {  	s2 =	simm.s32 $0xF980  }
0xaa: {  	[tilespmem:s2], [sflag:$0x5] =	stream.indirect_vreg.gather [hbm4b:s7+s3], $0x80, v4, vm1, $0xb8;
	[tilespmem:$0x1E200] =	vst v63  }
0xab: {  	s2 =	simm.s32 $0x10180  }
0xac: {  	[tilespmem:s2], [sflag:$0x5] =	stream.indirect_vreg.gather [hbm4b:s1+s3], $0x80, v3, vm1, $0xb8;
	[tilespmem:$0x1E200] =	vst v63  }
0xad: {  	s2 =	simm.s32 $0x10980  }
0xae: {  	[tilespmem:s2], [sflag:$0x5] =	stream.indirect_vreg.gather [hbm4b:s5+s3], $0x80, v3, vm1, $0xb8;
	[tilespmem:$0x1E200] =	vst v63  }
0xaf: {  	s2 =	simm.s32 $0x11180  }
0xb0: {  	[tilespmem:s2], [sflag:$0x5] =	stream.indirect_vreg.gather [hbm4b:s6+s3], $0x80, v3, vm1, $0xb8;
	[tilespmem:$0x1E200] =	vst v63  }
0xb1: {  	s2 =	simm.s32 $0x11980  }
0xb2: {  	[tilespmem:s2], [sflag:$0x5] =	stream.indirect_vreg.gather [hbm4b:s7+s3], $0x80, v3, vm1, $0xb8;
	[tilespmem:$0x1E200] =	vst v63  }
0xb3: {  	v3 =	vld.msk [tilespmem:$0xA0], $0xff;
	_ =	sdelay $0x4  }
0xb4: {  	v60 =	vshll.u32 v3, $0x3  }
0xb5: {  	v3 =	vand.u32 $0x7, v3;
	v4 =	vand.u32 $0xFFFFFFC0, v60  }
0xb6: {  	v3 =	vor.u32 v3, v4  }
0xb7: {  	v3 =	vperm.xlane v3, v0;
	_ =	sdelay $0x1  }
0xb8: {  	v3 =	vadd.s32 v1, v3;
	_ =	sdelay $0x3  }
0xb9: {  	s2 =	simm.s32 $0x12180  }
0xba: {  	[tilespmem:s2], [sflag:$0x5] =	stream.indirect_vreg.gather [hbm4b:s1+s3], $0x80, v3, vm1, $0xb8;
	[tilespmem:$0x1E200] =	vst v63  }
0xbb: {  	s2 =	simm.s32 $0x12980  }
0xbc: {  	[tilespmem:s2], [sflag:$0x5] =	stream.indirect_vreg.gather [hbm4b:s5+s3], $0x80, v3, vm1, $0xb8;
	[tilespmem:$0x1E200] =	vst v63  }
0xbd: {  	s2 =	simm.s32 $0x13180  }
0xbe: {  	[tilespmem:s2], [sflag:$0x5] =	stream.indirect_vreg.gather [hbm4b:s6+s3], $0x80, v3, vm1, $0xb8;
	[tilespmem:$0x1E200] =	vst v63  }
0xbf: {  	s2 =	simm.s32 $0x13980  }
0xc0: {  	[tilespmem:s2], [sflag:$0x5] =	stream.indirect_vreg.gather [hbm4b:s7+s3], $0x80, v3, vm1, $0xb8;
	[tilespmem:$0x1E200] =	vst v63  }
0xc1: {  	_ =	swait.ge [sflag:s19], $0xA000  }
0xc2: {  	[sflag:s19] =	ssyncset.done $0x0  }
0xc3: {  	s2 =	rddreg [dreg:$0xc];
	[sflag:s19] =	ssyncadd.s32 $0xFFFF6000  }
0xc4: {  	[hbm4b:s2+s3] =	stream.linear.scatter [tilespmem:s26], [sflag:$0x7], $0xA000, $0x38;
	[tilespmem:$0x1E200] =	vst v63  }
0xc5: {  	s2 =	rddreg [dreg:$0xd]  }
0xc6: {  	[tilespmem:s3], [sflag:$0x1] =	stream.linear.gather [hbm4b:s2+s3], $0x28, $0x38;
	[tilespmem:$0x1E200] =	vst v63  }
0xc7: {  	_ =	swait.ge [sflag:s20], $0x28  }
0xc8: {  	[sflag:s20] =	ssyncset.done $0x0  }
0xc9: {  	[sflag:s20] =	ssyncadd.s32 $0xFFFFFFD8  }
0xca: {  	v3 =	vld [tilespmem:$0x100];
	_ =	sdelay $0x4  }
0xcb: {  	v61 =	vshll.u32 v3, $0x3  }
0xcc: {  	v3 =	vand.u32 $0x7, v3;
	v4 =	vand.u32 $0xFFFFFFC0, v61  }
0xcd: {  	v3 =	vor.u32 v3, v4  }
0xce: {  	v4 =	vperm.xlane v3, v0;
	_ =	sdelay $0x1  }
0xcf: {  	v4 =	vadd.s32 v1, v4;
	_ =	sdelay $0x4  }
0xd0: {  	[tilespmem:s21], [sflag:$0x6] =	stream.indirect_vreg.gather [hbm4b:s1+s3], $0x80, v4, vm1, $0xb8;
	[tilespmem:$0x1E200] =	vst v63  }
0xd1: {  	s2 =	simm.s32 $0x14980;
	v3 =	vperm.xlane v3, v2  }
0xd2: {  	[tilespmem:s2], [sflag:$0x6] =	stream.indirect_vreg.gather [hbm4b:s5+s3], $0x80, v4, vm1, $0xb8;
	[tilespmem:$0x1E200] =	vst v63  }
0xd3: {  	v3 =	vadd.s32 v1, v3;
	s2 =	simm.s32 $0x15180  }
0xd4: {  	[tilespmem:s2], [sflag:$0x6] =	stream.indirect_vreg.gather [hbm4b:s6+s3], $0x80, v4, vm1, $0xb8;
	[tilespmem:$0x1E200] =	vst v63  }
0xd5: {  	s2 =	simm.s32 $0x15980  }
0xd6: {  	[tilespmem:s2], [sflag:$0x6] =	stream.indirect_vreg.gather [hbm4b:s7+s3], $0x80, v4, vm1, $0xb8;
	[tilespmem:$0x1E200] =	vst v63  }
0xd7: {  	s2 =	simm.s32 $0x16180  }
0xd8: {  	[tilespmem:s2], [sflag:$0x6] =	stream.indirect_vreg.gather [hbm4b:s1+s3], $0x80, v3, vm1, $0xb8;
	[tilespmem:$0x1E200] =	vst v63  }
0xd9: {  	s2 =	simm.s32 $0x16980  }
0xda: {  	[tilespmem:s2], [sflag:$0x6] =	stream.indirect_vreg.gather [hbm4b:s5+s3], $0x80, v3, vm1, $0xb8;
	[tilespmem:$0x1E200] =	vst v63  }
0xdb: {  	s2 =	simm.s32 $0x17180  }
0xdc: {  	[tilespmem:s2], [sflag:$0x6] =	stream.indirect_vreg.gather [hbm4b:s6+s3], $0x80, v3, vm1, $0xb8;
	[tilespmem:$0x1E200] =	vst v63  }
0xdd: {  	s2 =	simm.s32 $0x17980  }
0xde: {  	[tilespmem:s2], [sflag:$0x6] =	stream.indirect_vreg.gather [hbm4b:s7+s3], $0x80, v3, vm1, $0xb8;
	[tilespmem:$0x1E200] =	vst v63  }
0xdf: {  	v3 =	vld [tilespmem:$0x110];
	_ =	sdelay $0x4  }
0xe0: {  	v62 =	vshll.u32 v3, $0x3  }
0xe1: {  	v3 =	vand.u32 $0x7, v3;
	v4 =	vand.u32 $0xFFFFFFC0, v62  }
0xe2: {  	v3 =	vor.u32 v3, v4  }
0xe3: {  	v4 =	vperm.xlane v3, v0;
	_ =	sdelay $0x1  }
0xe4: {  	v4 =	vadd.s32 v1, v4;
	_ =	sdelay $0x3  }
0xe5: {  	s2 =	simm.s32 $0x18180  }
0xe6: {  	[tilespmem:s2], [sflag:$0x6] =	stream.indirect_vreg.gather [hbm4b:s1+s3], $0x80, v4, vm1, $0xb8;
	[tilespmem:$0x1E200] =	vst v63  }
0xe7: {  	v3 =	vperm.xlane v3, v2;
	s2 =	simm.s32 $0x18980  }
0xe8: {  	[tilespmem:s2], [sflag:$0x6] =	stream.indirect_vreg.gather [hbm4b:s5+s3], $0x80, v4, vm1, $0xb8;
	[tilespmem:$0x1E200] =	vst v63  }
0xe9: {  	v3 =	vadd.s32 v1, v3;
	s2 =	simm.s32 $0x19180  }
0xea: {  	[tilespmem:s2], [sflag:$0x6] =	stream.indirect_vreg.gather [hbm4b:s6+s3], $0x80, v4, vm1, $0xb8;
	[tilespmem:$0x1E200] =	vst v63  }
0xeb: {  	_ = 	snop  }
0xec: {  	[tilespmem:s9], [sflag:$0x6] =	stream.indirect_vreg.gather [hbm4b:s7+s3], $0x80, v4, vm1, $0xb8;
	[tilespmem:$0x1E200] =	vst v63  }
0xed: {  	_ = 	snop  }
0xee: {  	[tilespmem:s10], [sflag:$0x6] =	stream.indirect_vreg.gather [hbm4b:s1+s3], $0x80, v3, vm1, $0xb8;
	[tilespmem:$0x1E200] =	vst v63  }
0xef: {  	_ = 	snop  }
0xf0: {  	[tilespmem:s11], [sflag:$0x6] =	stream.indirect_vreg.gather [hbm4b:s5+s3], $0x80, v3, vm1, $0xb8;
	[tilespmem:$0x1E200] =	vst v63  }
0xf1: {  	_ = 	snop  }
0xf2: {  	[tilespmem:s13], [sflag:$0x6] =	stream.indirect_vreg.gather [hbm4b:s6+s3], $0x80, v3, vm1, $0xb8;
	[tilespmem:$0x1E200] =	vst v63  }
0xf3: {  	_ = 	snop  }
0xf4: {  	[tilespmem:s14], [sflag:$0x6] =	stream.indirect_vreg.gather [hbm4b:s7+s3], $0x80, v3, vm1, $0xb8;
	[tilespmem:$0x1E200] =	vst v63  }
0xf5: {  	v3 =	vld.msk [tilespmem:$0x120], $0xff;
	_ =	sdelay $0x4  }
0xf6: {  	v63 =	vshll.u32 v3, $0x3  }
0xf7: {  	v3 =	vand.u32 $0x7, v3;
	v4 =	vand.u32 $0xFFFFFFC0, v63  }
0xf8: {  	v3 =	vor.u32 v3, v4  }
0xf9: {  	v3 =	vperm.xlane v3, v0;
	_ =	sdelay $0x1  }
0xfa: {  	v3 =	vadd.s32 v1, v3;
	_ =	sdelay $0x4  }
0xfb: {  	[tilespmem:s15], [sflag:$0x6] =	stream.indirect_vreg.gather [hbm4b:s1+s3], $0x80, v3, vm1, $0xb8;
	[tilespmem:$0x1E200] =	vst v63  }
0xfc: {  	_ = 	snop  }
0xfd: {  	[tilespmem:s16], [sflag:$0x6] =	stream.indirect_vreg.gather [hbm4b:s5+s3], $0x80, v3, vm1, $0xb8;
	[tilespmem:$0x1E200] =	vst v63  }
0xfe: {  	_ = 	snop  }
0xff: {  	[tilespmem:s17], [sflag:$0x6] =	stream.indirect_vreg.gather [hbm4b:s6+s3], $0x80, v3, vm1, $0xb8;
	[tilespmem:$0x1E200] =	vst v63  }
0x100: {  	_ = 	snop  }
0x101: {  	[tilespmem:s18], [sflag:$0x6] =	stream.indirect_vreg.gather [hbm4b:s7+s3], $0x80, v3, vm1, $0xb8;
	[tilespmem:$0x1E200] =	vst v63  }
0x102: {  	_ =	swait.ge [sflag:s12], $0xA000  }
0x103: {  	[sflag:s12] =	ssyncset.done $0x0;
	s2 =	rddreg [dreg:$0xe]  }
0x104: {  	s30 =	rddreg [dreg:$0x16];
	[sflag:s12] =	ssyncadd.s32 $0xFFFF6000  }
0x105: {  	[hbm4b:s2+s3] =	stream.linear.scatter [tilespmem:s22], [sflag:$0x8], $0xA000, $0x38;
	[tilespmem:$0x1E200] =	vst v63  }
0x106: {  	s31 =	simm.s32 $0x0;
	s2 =	rddreg [dreg:$0xf]  }
0x107: {  	[tilespmem:s4], [sflag:$0x2] =	stream.linear.gather [hbm4b:s2+s3], $0x28, $0x38;
	[tilespmem:$0x1E200] =	vst v63  }
.LBB2_2:
0x108: {  	_ =	swait.ge [sflag:s23], $0xA000  }
0x109: {  	[sflag:s23] =	ssyncset.done $0x0  }
0x10a: {  	[sflag:s23] =	ssyncadd.s32 $0xFFFF6000  }
0x10b: {  	_ =	swait.ge [sflag:s25], $0x28  }
0x10c: {  	[sflag:s25] =	ssyncset.done $0x0  }
0x10d: {  	[sflag:s25] =	ssyncadd.s32 $0xFFFFFFD8  }
0x10e: {  	v3 =	vld [tilespmem:$0x0];
	_ =	sdelay $0x4  }
0x10f: {  	v4 =	vshll.u32 v3, $0x3  }
0x110: {  	v3 =	vand.u32 $0x7, v3;
	v4 =	vand.u32 $0xFFFFFFC0, v4  }
0x111: {  	v3 =	vor.u32 v3, v4  }
0x112: {  	v4 =	vperm.xlane v3, v0;
	_ =	sdelay $0x1  }
0x113: {  	v4 =	vadd.s32 v1, v4;
	_ =	sdelay $0x4  }
0x114: {  	[tilespmem:s26], [sflag:$0x4] =	stream.indirect_vreg.gather [hbm4b:s1+s3], $0x80, v4, vm1, $0xb8;
	[tilespmem:$0x1E200] =	vst v63  }
0x115: {  	s0 =	simm.s32 $0x980;
	v3 =	vperm.xlane v3, v2  }
0x116: {  	[tilespmem:s0], [sflag:$0x4] =	stream.indirect_vreg.gather [hbm4b:s5+s3], $0x80, v4, vm1, $0xb8;
	[tilespmem:$0x1E200] =	vst v63  }
0x117: {  	s2 =	simm.s32 $0x1180;
	v3 =	vadd.s32 v1, v3  }
0x118: {  	[tilespmem:s2], [sflag:$0x4] =	stream.indirect_vreg.gather [hbm4b:s6+s3], $0x80, v4, vm1, $0xb8;
	[tilespmem:$0x1E200] =	vst v63  }
0x119: {  	s2 =	simm.s32 $0x1980  }
0x11a: {  	[tilespmem:s2], [sflag:$0x4] =	stream.indirect_vreg.gather [hbm4b:s7+s3], $0x80, v4, vm1, $0xb8;
	[tilespmem:$0x1E200] =	vst v63  }
0x11b: {  	s2 =	simm.s32 $0x2180  }
0x11c: {  	[tilespmem:s2], [sflag:$0x4] =	stream.indirect_vreg.gather [hbm4b:s1+s3], $0x80, v3, vm1, $0xb8;
	[tilespmem:$0x1E200] =	vst v63  }
0x11d: {  	s2 =	simm.s32 $0x2980  }
0x11e: {  	[tilespmem:s2], [sflag:$0x4] =	stream.indirect_vreg.gather [hbm4b:s5+s3], $0x80, v3, vm1, $0xb8;
	[tilespmem:$0x1E200] =	vst v63  }
0x11f: {  	s2 =	simm.s32 $0x3180  }
0x120: {  	[tilespmem:s2], [sflag:$0x4] =	stream.indirect_vreg.gather [hbm4b:s6+s3], $0x80, v3, vm1, $0xb8;
	[tilespmem:$0x1E200] =	vst v63  }
0x121: {  	s2 =	simm.s32 $0x3980  }
0x122: {  	[tilespmem:s2], [sflag:$0x4] =	stream.indirect_vreg.gather [hbm4b:s7+s3], $0x80, v3, vm1, $0xb8;
	[tilespmem:$0x1E200] =	vst v63  }
0x123: {  	v3 =	vld [tilespmem:$0x10];
	_ =	sdelay $0x4  }
0x124: {  	v56 =	vshll.u32 v3, $0x3  }
0x125: {  	v3 =	vand.u32 $0x7, v3;
	v4 =	vand.u32 $0xFFFFFFC0, v56  }
0x126: {  	v3 =	vor.u32 v3, v4  }
0x127: {  	v4 =	vperm.xlane v3, v0;
	_ =	sdelay $0x1  }
0x128: {  	v4 =	vadd.s32 v1, v4;
	_ =	sdelay $0x3  }
0x129: {  	s2 =	simm.s32 $0x4180  }
0x12a: {  	[tilespmem:s2], [sflag:$0x4] =	stream.indirect_vreg.gather [hbm4b:s1+s3], $0x80, v4, vm1, $0xb8;
	[tilespmem:$0x1E200] =	vst v63  }
0x12b: {  	v3 =	vperm.xlane v3, v2;
	s2 =	simm.s32 $0x4980  }
0x12c: {  	[tilespmem:s2], [sflag:$0x4] =	stream.indirect_vreg.gather [hbm4b:s5+s3], $0x80, v4, vm1, $0xb8;
	[tilespmem:$0x1E200] =	vst v63  }
0x12d: {  	v3 =	vadd.s32 v1, v3;
	s2 =	simm.s32 $0x5180  }
0x12e: {  	[tilespmem:s2], [sflag:$0x4] =	stream.indirect_vreg.gather [hbm4b:s6+s3], $0x80, v4, vm1, $0xb8;
	[tilespmem:$0x1E200] =	vst v63  }
0x12f: {  	s2 =	simm.s32 $0x5980  }
0x130: {  	[tilespmem:s2], [sflag:$0x4] =	stream.indirect_vreg.gather [hbm4b:s7+s3], $0x80, v4, vm1, $0xb8;
	[tilespmem:$0x1E200] =	vst v63  }
0x131: {  	s2 =	simm.s32 $0x6180  }
0x132: {  	[tilespmem:s2], [sflag:$0x4] =	stream.indirect_vreg.gather [hbm4b:s1+s3], $0x80, v3, vm1, $0xb8;
	[tilespmem:$0x1E200] =	vst v63  }
0x133: {  	s2 =	simm.s32 $0x6980  }
0x134: {  	[tilespmem:s2], [sflag:$0x4] =	stream.indirect_vreg.gather [hbm4b:s5+s3], $0x80, v3, vm1, $0xb8;
	[tilespmem:$0x1E200] =	vst v63  }
0x135: {  	s2 =	simm.s32 $0x7180  }
0x136: {  	[tilespmem:s2], [sflag:$0x4] =	stream.indirect_vreg.gather [hbm4b:s6+s3], $0x80, v3, vm1, $0xb8;
	[tilespmem:$0x1E200] =	vst v63  }
0x137: {  	s2 =	simm.s32 $0x7980  }
0x138: {  	[tilespmem:s2], [sflag:$0x4] =	stream.indirect_vreg.gather [hbm4b:s7+s3], $0x80, v3, vm1, $0xb8;
	[tilespmem:$0x1E200] =	vst v63  }
0x139: {  	v3 =	vld.msk [tilespmem:$0x20], $0xff;
	_ =	sdelay $0x4  }
0x13a: {  	v57 =	vshll.u32 v3, $0x3  }
0x13b: {  	v3 =	vand.u32 $0x7, v3;
	v4 =	vand.u32 $0xFFFFFFC0, v57  }
0x13c: {  	v3 =	vor.u32 v3, v4  }
0x13d: {  	v3 =	vperm.xlane v3, v0;
	_ =	sdelay $0x1  }
0x13e: {  	v3 =	vadd.s32 v1, v3;
	_ =	sdelay $0x3  }
0x13f: {  	s2 =	simm.s32 $0x8180  }
0x140: {  	[tilespmem:s2], [sflag:$0x4] =	stream.indirect_vreg.gather [hbm4b:s1+s3], $0x80, v3, vm1, $0xb8;
	[tilespmem:$0x1E200] =	vst v63  }
0x141: {  	s2 =	simm.s32 $0x8980  }
0x142: {  	[tilespmem:s2], [sflag:$0x4] =	stream.indirect_vreg.gather [hbm4b:s5+s3], $0x80, v3, vm1, $0xb8;
	[tilespmem:$0x1E200] =	vst v63  }
0x143: {  	s2 =	simm.s32 $0x9180  }
0x144: {  	[tilespmem:s2], [sflag:$0x4] =	stream.indirect_vreg.gather [hbm4b:s6+s3], $0x80, v3, vm1, $0xb8;
	[tilespmem:$0x1E200] =	vst v63  }
0x145: {  	s2 =	simm.s32 $0x9980  }
0x146: {  	[tilespmem:s2], [sflag:$0x4] =	stream.indirect_vreg.gather [hbm4b:s7+s3], $0x80, v3, vm1, $0xb8;
	[tilespmem:$0x1E200] =	vst v63  }
0x147: {  	_ =	swait.ge [sflag:s24], $0xA000  }
0x148: {  	[sflag:s24] =	ssyncset.done $0x0  }
0x149: {  	s2 =	sadd.s32 $0xFFFFD800, s30;
	s0 =	rddreg [dreg:$0x6];
	[sflag:s24] =	ssyncadd.s32 $0xFFFF6000  }
0x14a: {  	[hbm4b:s2+s3] =	stream.linear.scatter [tilespmem:s21], [sflag:$0x9], $0xA000, $0x38;
	[tilespmem:$0x1E200] =	vst v63  }
0x14b: {  	s0 =	sadd.s32 s31, s0;
	s2 =	simm.s32 $0x100  }
0x14c: {  	[tilespmem:s2], [sflag:$0x3] =	stream.linear.gather [hbm4b:s0+s3], $0x28, $0x38;
	[tilespmem:$0x1E200] =	vst v63  }
0x14d: {  	_ =	swait.ge [sflag:s28], $0xA000  }
0x14e: {  	[sflag:s28] =	ssyncset.done $0x0  }
0x14f: {  	[sflag:s28] =	ssyncadd.s32 $0xFFFF6000  }
0x150: {  	_ =	swait.ge [sflag:s8], $0x28  }
0x151: {  	[sflag:s8] =	ssyncset.done $0x0  }
0x152: {  	[sflag:s8] =	ssyncadd.s32 $0xFFFFFFD8  }
0x153: {  	v3 =	vld [tilespmem:$0x80];
	_ =	sdelay $0x4  }
0x154: {  	v58 =	vshll.u32 v3, $0x3  }
0x155: {  	v3 =	vand.u32 $0x7, v3;
	v4 =	vand.u32 $0xFFFFFFC0, v58  }
0x156: {  	v3 =	vor.u32 v3, v4  }
0x157: {  	v4 =	vperm.xlane v3, v0;
	_ =	sdelay $0x1  }
0x158: {  	v4 =	vadd.s32 v1, v4;
	_ =	sdelay $0x4  }
0x159: {  	[tilespmem:s22], [sflag:$0x5] =	stream.indirect_vreg.gather [hbm4b:s1+s3], $0x80, v4, vm1, $0xb8;
	[tilespmem:$0x1E200] =	vst v63  }
0x15a: {  	s2 =	simm.s32 $0xA980;
	v3 =	vperm.xlane v3, v2  }
0x15b: {  	[tilespmem:s2], [sflag:$0x5] =	stream.indirect_vreg.gather [hbm4b:s5+s3], $0x80, v4, vm1, $0xb8;
	[tilespmem:$0x1E200] =	vst v63  }
0x15c: {  	v3 =	vadd.s32 v1, v3;
	s2 =	simm.s32 $0xB180  }
0x15d: {  	[tilespmem:s2], [sflag:$0x5] =	stream.indirect_vreg.gather [hbm4b:s6+s3], $0x80, v4, vm1, $0xb8;
	[tilespmem:$0x1E200] =	vst v63  }
0x15e: {  	s2 =	simm.s32 $0xB980  }
0x15f: {  	[tilespmem:s2], [sflag:$0x5] =	stream.indirect_vreg.gather [hbm4b:s7+s3], $0x80, v4, vm1, $0xb8;
	[tilespmem:$0x1E200] =	vst v63  }
0x160: {  	s2 =	simm.s32 $0xC180  }
0x161: {  	[tilespmem:s2], [sflag:$0x5] =	stream.indirect_vreg.gather [hbm4b:s1+s3], $0x80, v3, vm1, $0xb8;
	[tilespmem:$0x1E200] =	vst v63  }
0x162: {  	s2 =	simm.s32 $0xC980  }
0x163: {  	[tilespmem:s2], [sflag:$0x5] =	stream.indirect_vreg.gather [hbm4b:s5+s3], $0x80, v3, vm1, $0xb8;
	[tilespmem:$0x1E200] =	vst v63  }
0x164: {  	s2 =	simm.s32 $0xD180  }
0x165: {  	[tilespmem:s2], [sflag:$0x5] =	stream.indirect_vreg.gather [hbm4b:s6+s3], $0x80, v3, vm1, $0xb8;
	[tilespmem:$0x1E200] =	vst v63  }
0x166: {  	s2 =	simm.s32 $0xD980  }
0x167: {  	[tilespmem:s2], [sflag:$0x5] =	stream.indirect_vreg.gather [hbm4b:s7+s3], $0x80, v3, vm1, $0xb8;
	[tilespmem:$0x1E200] =	vst v63  }
0x168: {  	v3 =	vld [tilespmem:$0x90];
	_ =	sdelay $0x4  }
0x169: {  	v59 =	vshll.u32 v3, $0x3  }
0x16a: {  	v3 =	vand.u32 $0x7, v3;
	v4 =	vand.u32 $0xFFFFFFC0, v59  }
0x16b: {  	v3 =	vor.u32 v3, v4  }
0x16c: {  	v4 =	vperm.xlane v3, v0;
	_ =	sdelay $0x1  }
0x16d: {  	v4 =	vadd.s32 v1, v4;
	_ =	sdelay $0x3  }
0x16e: {  	s2 =	simm.s32 $0xE180  }
0x16f: {  	[tilespmem:s2], [sflag:$0x5] =	stream.indirect_vreg.gather [hbm4b:s1+s3], $0x80, v4, vm1, $0xb8;
	[tilespmem:$0x1E200] =	vst v63  }
0x170: {  	v3 =	vperm.xlane v3, v2;
	s2 =	simm.s32 $0xE980  }
0x171: {  	[tilespmem:s2], [sflag:$0x5] =	stream.indirect_vreg.gather [hbm4b:s5+s3], $0x80, v4, vm1, $0xb8;
	[tilespmem:$0x1E200] =	vst v63  }
0x172: {  	v3 =	vadd.s32 v1, v3;
	s2 =	simm.s32 $0xF180  }
0x173: {  	[tilespmem:s2], [sflag:$0x5] =	stream.indirect_vreg.gather [hbm4b:s6+s3], $0x80, v4, vm1, $0xb8;
	[tilespmem:$0x1E200] =	vst v63  }
0x174: {  	s2 =	simm.s32 $0xF980  }
0x175: {  	[tilespmem:s2], [sflag:$0x5] =	stream.indirect_vreg.gather [hbm4b:s7+s3], $0x80, v4, vm1, $0xb8;
	[tilespmem:$0x1E200] =	vst v63  }
0x176: {  	s2 =	simm.s32 $0x10180  }
0x177: {  	[tilespmem:s2], [sflag:$0x5] =	stream.indirect_vreg.gather [hbm4b:s1+s3], $0x80, v3, vm1, $0xb8;
	[tilespmem:$0x1E200] =	vst v63  }
0x178: {  	s2 =	simm.s32 $0x10980  }
0x179: {  	[tilespmem:s2], [sflag:$0x5] =	stream.indirect_vreg.gather [hbm4b:s5+s3], $0x80, v3, vm1, $0xb8;
	[tilespmem:$0x1E200] =	vst v63  }
0x17a: {  	s2 =	simm.s32 $0x11180  }
0x17b: {  	[tilespmem:s2], [sflag:$0x5] =	stream.indirect_vreg.gather [hbm4b:s6+s3], $0x80, v3, vm1, $0xb8;
	[tilespmem:$0x1E200] =	vst v63  }
0x17c: {  	s2 =	simm.s32 $0x11980  }
0x17d: {  	[tilespmem:s2], [sflag:$0x5] =	stream.indirect_vreg.gather [hbm4b:s7+s3], $0x80, v3, vm1, $0xb8;
	[tilespmem:$0x1E200] =	vst v63  }
0x17e: {  	v3 =	vld.msk [tilespmem:$0xA0], $0xff;
	_ =	sdelay $0x4  }
0x17f: {  	v60 =	vshll.u32 v3, $0x3  }
0x180: {  	v3 =	vand.u32 $0x7, v3;
	v4 =	vand.u32 $0xFFFFFFC0, v60  }
0x181: {  	v3 =	vor.u32 v3, v4  }
0x182: {  	v3 =	vperm.xlane v3, v0;
	_ =	sdelay $0x1  }
0x183: {  	v3 =	vadd.s32 v1, v3;
	_ =	sdelay $0x3  }
0x184: {  	s2 =	simm.s32 $0x12180  }
0x185: {  	[tilespmem:s2], [sflag:$0x5] =	stream.indirect_vreg.gather [hbm4b:s1+s3], $0x80, v3, vm1, $0xb8;
	[tilespmem:$0x1E200] =	vst v63  }
0x186: {  	s2 =	simm.s32 $0x12980  }
0x187: {  	[tilespmem:s2], [sflag:$0x5] =	stream.indirect_vreg.gather [hbm4b:s5+s3], $0x80, v3, vm1, $0xb8;
	[tilespmem:$0x1E200] =	vst v63  }
0x188: {  	s2 =	simm.s32 $0x13180  }
0x189: {  	[tilespmem:s2], [sflag:$0x5] =	stream.indirect_vreg.gather [hbm4b:s6+s3], $0x80, v3, vm1, $0xb8;
	[tilespmem:$0x1E200] =	vst v63  }
0x18a: {  	s2 =	simm.s32 $0x13980  }
0x18b: {  	[tilespmem:s2], [sflag:$0x5] =	stream.indirect_vreg.gather [hbm4b:s7+s3], $0x80, v3, vm1, $0xb8;
	[tilespmem:$0x1E200] =	vst v63  }
0x18c: {  	_ =	swait.ge [sflag:s19], $0xA000  }
0x18d: {  	[sflag:s19] =	ssyncset.done $0x0  }
0x18e: {  	s2 =	sadd.s32 $0xFFFFEC00, s30;
	s0 =	rddreg [dreg:$0x5];
	[sflag:s19] =	ssyncadd.s32 $0xFFFF6000  }
0x18f: {  	[hbm4b:s2+s3] =	stream.linear.scatter [tilespmem:s26], [sflag:$0x7], $0xA000, $0x38;
	[tilespmem:$0x1E200] =	vst v63  }
0x190: {  	s0 =	sadd.s32 s31, s0  }
0x191: {  	[tilespmem:s3], [sflag:$0x1] =	stream.linear.gather [hbm4b:s0+s3], $0x28, $0x38;
	[tilespmem:$0x1E200] =	vst v63  }
0x192: {  	_ =	swait.ge [sflag:s29], $0xA000  }
0x193: {  	[sflag:s29] =	ssyncset.done $0x0  }
0x194: {  	[sflag:s29] =	ssyncadd.s32 $0xFFFF6000  }
0x195: {  	_ =	swait.ge [sflag:s20], $0x28  }
0x196: {  	[sflag:s20] =	ssyncset.done $0x0  }
0x197: {  	[sflag:s20] =	ssyncadd.s32 $0xFFFFFFD8  }
0x198: {  	v3 =	vld [tilespmem:$0x100];
	_ =	sdelay $0x4  }
0x199: {  	v61 =	vshll.u32 v3, $0x3  }
0x19a: {  	v3 =	vand.u32 $0x7, v3;
	v4 =	vand.u32 $0xFFFFFFC0, v61  }
0x19b: {  	v3 =	vor.u32 v3, v4  }
0x19c: {  	v4 =	vperm.xlane v3, v0;
	_ =	sdelay $0x1  }
0x19d: {  	v4 =	vadd.s32 v1, v4;
	_ =	sdelay $0x4  }
0x19e: {  	[tilespmem:s21], [sflag:$0x6] =	stream.indirect_vreg.gather [hbm4b:s1+s3], $0x80, v4, vm1, $0xb8;
	[tilespmem:$0x1E200] =	vst v63  }
0x19f: {  	s2 =	simm.s32 $0x14980;
	v3 =	vperm.xlane v3, v2  }
0x1a0: {  	[tilespmem:s2], [sflag:$0x6] =	stream.indirect_vreg.gather [hbm4b:s5+s3], $0x80, v4, vm1, $0xb8;
	[tilespmem:$0x1E200] =	vst v63  }
0x1a1: {  	v3 =	vadd.s32 v1, v3;
	s2 =	simm.s32 $0x15180  }
0x1a2: {  	[tilespmem:s2], [sflag:$0x6] =	stream.indirect_vreg.gather [hbm4b:s6+s3], $0x80, v4, vm1, $0xb8;
	[tilespmem:$0x1E200] =	vst v63  }
0x1a3: {  	s2 =	simm.s32 $0x15980  }
0x1a4: {  	[tilespmem:s2], [sflag:$0x6] =	stream.indirect_vreg.gather [hbm4b:s7+s3], $0x80, v4, vm1, $0xb8;
	[tilespmem:$0x1E200] =	vst v63  }
0x1a5: {  	s2 =	simm.s32 $0x16180  }
0x1a6: {  	[tilespmem:s2], [sflag:$0x6] =	stream.indirect_vreg.gather [hbm4b:s1+s3], $0x80, v3, vm1, $0xb8;
	[tilespmem:$0x1E200] =	vst v63  }
0x1a7: {  	s2 =	simm.s32 $0x16980  }
0x1a8: {  	[tilespmem:s2], [sflag:$0x6] =	stream.indirect_vreg.gather [hbm4b:s5+s3], $0x80, v3, vm1, $0xb8;
	[tilespmem:$0x1E200] =	vst v63  }
0x1a9: {  	s2 =	simm.s32 $0x17180  }
0x1aa: {  	[tilespmem:s2], [sflag:$0x6] =	stream.indirect_vreg.gather [hbm4b:s6+s3], $0x80, v3, vm1, $0xb8;
	[tilespmem:$0x1E200] =	vst v63  }
0x1ab: {  	s2 =	simm.s32 $0x17980  }
0x1ac: {  	[tilespmem:s2], [sflag:$0x6] =	stream.indirect_vreg.gather [hbm4b:s7+s3], $0x80, v3, vm1, $0xb8;
	[tilespmem:$0x1E200] =	vst v63  }
0x1ad: {  	v3 =	vld [tilespmem:$0x110];
	_ =	sdelay $0x4  }
0x1ae: {  	v62 =	vshll.u32 v3, $0x3  }
0x1af: {  	v3 =	vand.u32 $0x7, v3;
	v4 =	vand.u32 $0xFFFFFFC0, v62  }
0x1b0: {  	v3 =	vor.u32 v3, v4  }
0x1b1: {  	v4 =	vperm.xlane v3, v0;
	_ =	sdelay $0x1  }
0x1b2: {  	v4 =	vadd.s32 v1, v4;
	_ =	sdelay $0x3  }
0x1b3: {  	s2 =	simm.s32 $0x18180  }
0x1b4: {  	[tilespmem:s2], [sflag:$0x6] =	stream.indirect_vreg.gather [hbm4b:s1+s3], $0x80, v4, vm1, $0xb8;
	[tilespmem:$0x1E200] =	vst v63  }
0x1b5: {  	v3 =	vperm.xlane v3, v2;
	s2 =	simm.s32 $0x18980  }
0x1b6: {  	[tilespmem:s2], [sflag:$0x6] =	stream.indirect_vreg.gather [hbm4b:s5+s3], $0x80, v4, vm1, $0xb8;
	[tilespmem:$0x1E200] =	vst v63  }
0x1b7: {  	v3 =	vadd.s32 v1, v3;
	s2 =	simm.s32 $0x19180  }
0x1b8: {  	[tilespmem:s2], [sflag:$0x6] =	stream.indirect_vreg.gather [hbm4b:s6+s3], $0x80, v4, vm1, $0xb8;
	[tilespmem:$0x1E200] =	vst v63  }
0x1b9: {  	_ = 	snop  }
0x1ba: {  	[tilespmem:s9], [sflag:$0x6] =	stream.indirect_vreg.gather [hbm4b:s7+s3], $0x80, v4, vm1, $0xb8;
	[tilespmem:$0x1E200] =	vst v63  }
0x1bb: {  	_ = 	snop  }
0x1bc: {  	[tilespmem:s10], [sflag:$0x6] =	stream.indirect_vreg.gather [hbm4b:s1+s3], $0x80, v3, vm1, $0xb8;
	[tilespmem:$0x1E200] =	vst v63  }
0x1bd: {  	_ = 	snop  }
0x1be: {  	[tilespmem:s11], [sflag:$0x6] =	stream.indirect_vreg.gather [hbm4b:s5+s3], $0x80, v3, vm1, $0xb8;
	[tilespmem:$0x1E200] =	vst v63  }
0x1bf: {  	_ = 	snop  }
0x1c0: {  	[tilespmem:s13], [sflag:$0x6] =	stream.indirect_vreg.gather [hbm4b:s6+s3], $0x80, v3, vm1, $0xb8;
	[tilespmem:$0x1E200] =	vst v63  }
0x1c1: {  	_ = 	snop  }
0x1c2: {  	[tilespmem:s14], [sflag:$0x6] =	stream.indirect_vreg.gather [hbm4b:s7+s3], $0x80, v3, vm1, $0xb8;
	[tilespmem:$0x1E200] =	vst v63  }
0x1c3: {  	v3 =	vld.msk [tilespmem:$0x120], $0xff;
	_ =	sdelay $0x4  }
0x1c4: {  	v63 =	vshll.u32 v3, $0x3  }
0x1c5: {  	v3 =	vand.u32 $0x7, v3;
	v4 =	vand.u32 $0xFFFFFFC0, v63  }
0x1c6: {  	v3 =	vor.u32 v3, v4  }
0x1c7: {  	v3 =	vperm.xlane v3, v0;
	_ =	sdelay $0x1  }
0x1c8: {  	v3 =	vadd.s32 v1, v3;
	_ =	sdelay $0x4  }
0x1c9: {  	[tilespmem:s15], [sflag:$0x6] =	stream.indirect_vreg.gather [hbm4b:s1+s3], $0x80, v3, vm1, $0xb8;
	[tilespmem:$0x1E200] =	vst v63  }
0x1ca: {  	_ = 	snop  }
0x1cb: {  	[tilespmem:s16], [sflag:$0x6] =	stream.indirect_vreg.gather [hbm4b:s5+s3], $0x80, v3, vm1, $0xb8;
	[tilespmem:$0x1E200] =	vst v63  }
0x1cc: {  	_ = 	snop  }
0x1cd: {  	[tilespmem:s17], [sflag:$0x6] =	stream.indirect_vreg.gather [hbm4b:s6+s3], $0x80, v3, vm1, $0xb8;
	[tilespmem:$0x1E200] =	vst v63  }
0x1ce: {  	_ = 	snop  }
0x1cf: {  	[tilespmem:s18], [sflag:$0x6] =	stream.indirect_vreg.gather [hbm4b:s7+s3], $0x80, v3, vm1, $0xb8;
	[tilespmem:$0x1E200] =	vst v63  }
0x1d0: {  	p1 =	sne.s32 s31, $0x159;
	_ =	swait.ge [sflag:s12], $0xA000  }
.Ltmp0:
0x1d1: {  	[sflag:s12] =	ssyncset.done $0x0;
	(pc) =	sbr.rel @p1 .LBB2_2-.Ltmp0, $4  }
0x1d2: {  	s2 =	rddreg [dreg:$0x4];
	[sflag:s12] =	ssyncadd.s32 $0xFFFF6000  }
0x1d3: {  	[hbm4b:s30+s3] =	stream.linear.scatter [tilespmem:s22], [sflag:$0x8], $0xA000, $0x38;
	[tilespmem:$0x1E200] =	vst v63  }
0x1d4: {  	s0 =	sadd.s32 s31, s2;
	s31 =	sadd.s32 $0xF, s31;
	s30 =	sadd.s32 $0x3C00, s30  }
0x1d5: {  	[tilespmem:s4], [sflag:$0x2] =	stream.linear.gather [hbm4b:s0+s3], $0x28, $0x38;
	[tilespmem:$0x1E200] =	vst v63  }
0x1d6: {  	_ =	swait.ge [sflag:s23], $0xA000  }
0x1d7: {  	[sflag:s23] =	ssyncset.done $0x0  }
0x1d8: {  	[sflag:s23] =	ssyncadd.s32 $0xFFFF6000  }
0x1d9: {  	_ =	swait.ge [sflag:s25], $0x28  }
0x1da: {  	[sflag:s25] =	ssyncset.done $0x0  }
0x1db: {  	[sflag:s25] =	ssyncadd.s32 $0xFFFFFFD8  }
0x1dc: {  	v3 =	vld [tilespmem:$0x0];
	_ =	sdelay $0x4  }
0x1dd: {  	v4 =	vshll.u32 v3, $0x3  }
0x1de: {  	v3 =	vand.u32 $0x7, v3;
	v4 =	vand.u32 $0xFFFFFFC0, v4  }
0x1df: {  	v3 =	vor.u32 v3, v4  }
0x1e0: {  	v4 =	vperm.xlane v3, v0;
	_ =	sdelay $0x1  }
0x1e1: {  	v4 =	vadd.s32 v1, v4;
	_ =	sdelay $0x4  }
0x1e2: {  	[tilespmem:s26], [sflag:$0x4] =	stream.indirect_vreg.gather [hbm4b:s1+s3], $0x80, v4, vm1, $0xb8;
	[tilespmem:$0x1E200] =	vst v63  }
0x1e3: {  	s0 =	simm.s32 $0x980;
	v3 =	vperm.xlane v3, v2  }
0x1e4: {  	[tilespmem:s0], [sflag:$0x4] =	stream.indirect_vreg.gather [hbm4b:s5+s3], $0x80, v4, vm1, $0xb8;
	[tilespmem:$0x1E200] =	vst v63  }
0x1e5: {  	s2 =	simm.s32 $0x1180;
	v3 =	vadd.s32 v1, v3  }
0x1e6: {  	[tilespmem:s2], [sflag:$0x4] =	stream.indirect_vreg.gather [hbm4b:s6+s3], $0x80, v4, vm1, $0xb8;
	[tilespmem:$0x1E200] =	vst v63  }
0x1e7: {  	s30 =	simm.s32 $0x1980  }
0x1e8: {  	[tilespmem:s30], [sflag:$0x4] =	stream.indirect_vreg.gather [hbm4b:s7+s3], $0x80, v4, vm1, $0xb8;
	[tilespmem:$0x1E200] =	vst v63  }
0x1e9: {  	s31 =	simm.s32 $0x2180  }
0x1ea: {  	[tilespmem:s31], [sflag:$0x4] =	stream.indirect_vreg.gather [hbm4b:s1+s3], $0x80, v3, vm1, $0xb8;
	[tilespmem:$0x1E200] =	vst v63  }
0x1eb: {  	s2 =	simm.s32 $0x2980  }
0x1ec: {  	[tilespmem:s2], [sflag:$0x4] =	stream.indirect_vreg.gather [hbm4b:s5+s3], $0x80, v3, vm1, $0xb8;
	[tilespmem:$0x1E200] =	vst v63  }
0x1ed: {  	s30 =	simm.s32 $0x3180  }
0x1ee: {  	[tilespmem:s30], [sflag:$0x4] =	stream.indirect_vreg.gather [hbm4b:s6+s3], $0x80, v3, vm1, $0xb8;
	[tilespmem:$0x1E200] =	vst v63  }
0x1ef: {  	s31 =	simm.s32 $0x3980  }
0x1f0: {  	[tilespmem:s31], [sflag:$0x4] =	stream.indirect_vreg.gather [hbm4b:s7+s3], $0x80, v3, vm1, $0xb8;
	[tilespmem:$0x1E200] =	vst v63  }
0x1f1: {  	v3 =	vld [tilespmem:$0x10];
	_ =	sdelay $0x4  }
0x1f2: {  	v56 =	vshll.u32 v3, $0x3  }
0x1f3: {  	v3 =	vand.u32 $0x7, v3;
	v4 =	vand.u32 $0xFFFFFFC0, v56  }
0x1f4: {  	v3 =	vor.u32 v3, v4  }
0x1f5: {  	v4 =	vperm.xlane v3, v0;
	_ =	sdelay $0x1  }
0x1f6: {  	v4 =	vadd.s32 v1, v4;
	_ =	sdelay $0x3  }
0x1f7: {  	s2 =	simm.s32 $0x4180  }
0x1f8: {  	[tilespmem:s2], [sflag:$0x4] =	stream.indirect_vreg.gather [hbm4b:s1+s3], $0x80, v4, vm1, $0xb8;
	[tilespmem:$0x1E200] =	vst v63  }
0x1f9: {  	s30 =	simm.s32 $0x4980;
	v3 =	vperm.xlane v3, v2  }
0x1fa: {  	[tilespmem:s30], [sflag:$0x4] =	stream.indirect_vreg.gather [hbm4b:s5+s3], $0x80, v4, vm1, $0xb8;
	[tilespmem:$0x1E200] =	vst v63  }
0x1fb: {  	s31 =	simm.s32 $0x5180;
	v3 =	vadd.s32 v1, v3  }
0x1fc: {  	[tilespmem:s31], [sflag:$0x4] =	stream.indirect_vreg.gather [hbm4b:s6+s3], $0x80, v4, vm1, $0xb8;
	[tilespmem:$0x1E200] =	vst v63  }
0x1fd: {  	s2 =	simm.s32 $0x5980  }
0x1fe: {  	[tilespmem:s2], [sflag:$0x4] =	stream.indirect_vreg.gather [hbm4b:s7+s3], $0x80, v4, vm1, $0xb8;
	[tilespmem:$0x1E200] =	vst v63  }
0x1ff: {  	s30 =	simm.s32 $0x6180  }
0x200: {  	[tilespmem:s30], [sflag:$0x4] =	stream.indirect_vreg.gather [hbm4b:s1+s3], $0x80, v3, vm1, $0xb8;
	[tilespmem:$0x1E200] =	vst v63  }
0x201: {  	s31 =	simm.s32 $0x6980  }
0x202: {  	[tilespmem:s31], [sflag:$0x4] =	stream.indirect_vreg.gather [hbm4b:s5+s3], $0x80, v3, vm1, $0xb8;
	[tilespmem:$0x1E200] =	vst v63  }
0x203: {  	s2 =	simm.s32 $0x7180  }
0x204: {  	[tilespmem:s2], [sflag:$0x4] =	stream.indirect_vreg.gather [hbm4b:s6+s3], $0x80, v3, vm1, $0xb8;
	[tilespmem:$0x1E200] =	vst v63  }
0x205: {  	s30 =	simm.s32 $0x7980  }
0x206: {  	[tilespmem:s30], [sflag:$0x4] =	stream.indirect_vreg.gather [hbm4b:s7+s3], $0x80, v3, vm1, $0xb8;
	[tilespmem:$0x1E200] =	vst v63  }
0x207: {  	v3 =	vld.msk [tilespmem:$0x20], $0xff;
	_ =	sdelay $0x4  }
0x208: {  	v57 =	vshll.u32 v3, $0x3  }
0x209: {  	v3 =	vand.u32 $0x7, v3;
	v4 =	vand.u32 $0xFFFFFFC0, v57  }
0x20a: {  	v3 =	vor.u32 v3, v4  }
0x20b: {  	v3 =	vperm.xlane v3, v0;
	_ =	sdelay $0x1  }
0x20c: {  	v3 =	vadd.s32 v1, v3;
	_ =	sdelay $0x3  }
0x20d: {  	s31 =	simm.s32 $0x8180  }
0x20e: {  	[tilespmem:s31], [sflag:$0x4] =	stream.indirect_vreg.gather [hbm4b:s1+s3], $0x80, v3, vm1, $0xb8;
	[tilespmem:$0x1E200] =	vst v63  }
0x20f: {  	s2 =	simm.s32 $0x8980  }
0x210: {  	[tilespmem:s2], [sflag:$0x4] =	stream.indirect_vreg.gather [hbm4b:s5+s3], $0x80, v3, vm1, $0xb8;
	[tilespmem:$0x1E200] =	vst v63  }
0x211: {  	s30 =	simm.s32 $0x9180  }
0x212: {  	[tilespmem:s30], [sflag:$0x4] =	stream.indirect_vreg.gather [hbm4b:s6+s3], $0x80, v3, vm1, $0xb8;
	[tilespmem:$0x1E200] =	vst v63  }
0x213: {  	s31 =	simm.s32 $0x9980  }
0x214: {  	[tilespmem:s31], [sflag:$0x4] =	stream.indirect_vreg.gather [hbm4b:s7+s3], $0x80, v3, vm1, $0xb8;
	[tilespmem:$0x1E200] =	vst v63  }
0x215: {  	_ =	swait.ge [sflag:s24], $0xA000  }
0x216: {  	[sflag:s24] =	ssyncset.done $0x0  }
0x217: {  	s2 =	rddreg [dreg:$0x10];
	[sflag:s24] =	ssyncadd.s32 $0xFFFF6000  }
0x218: {  	[hbm4b:s2+s3] =	stream.linear.scatter [tilespmem:s21], [sflag:$0x9], $0xA000, $0x38;
	[tilespmem:$0x1E200] =	vst v63  }
0x219: {  	s30 =	rddreg [dreg:$0x11];
	s2 =	simm.s32 $0x100  }
0x21a: {  	[tilespmem:s2], [sflag:$0x3] =	stream.linear.gather [hbm4b:s30+s3], $0x28, $0x38;
	[tilespmem:$0x1E200] =	vst v63  }
0x21b: {  	_ =	swait.ge [sflag:s28], $0xA000  }
0x21c: {  	[sflag:s28] =	ssyncset.done $0x0  }
0x21d: {  	[sflag:s28] =	ssyncadd.s32 $0xFFFF6000  }
0x21e: {  	_ =	swait.ge [sflag:s8], $0x28  }
0x21f: {  	[sflag:s8] =	ssyncset.done $0x0  }
0x220: {  	[sflag:s8] =	ssyncadd.s32 $0xFFFFFFD8  }
0x221: {  	v3 =	vld [tilespmem:$0x80];
	_ =	sdelay $0x4  }
0x222: {  	v58 =	vshll.u32 v3, $0x3  }
0x223: {  	v3 =	vand.u32 $0x7, v3;
	v4 =	vand.u32 $0xFFFFFFC0, v58  }
0x224: {  	v3 =	vor.u32 v3, v4  }
0x225: {  	v4 =	vperm.xlane v3, v0;
	_ =	sdelay $0x1  }
0x226: {  	v4 =	vadd.s32 v1, v4;
	_ =	sdelay $0x4  }
0x227: {  	[tilespmem:s22], [sflag:$0x5] =	stream.indirect_vreg.gather [hbm4b:s1+s3], $0x80, v4, vm1, $0xb8;
	[tilespmem:$0x1E200] =	vst v63  }
0x228: {  	s31 =	simm.s32 $0xA980;
	v3 =	vperm.xlane v3, v2  }
0x229: {  	[tilespmem:s31], [sflag:$0x5] =	stream.indirect_vreg.gather [hbm4b:s5+s3], $0x80, v4, vm1, $0xb8;
	[tilespmem:$0x1E200] =	vst v63  }
0x22a: {  	s2 =	simm.s32 $0xB180;
	v3 =	vadd.s32 v1, v3  }
0x22b: {  	[tilespmem:s2], [sflag:$0x5] =	stream.indirect_vreg.gather [hbm4b:s6+s3], $0x80, v4, vm1, $0xb8;
	[tilespmem:$0x1E200] =	vst v63  }
0x22c: {  	s30 =	simm.s32 $0xB980  }
0x22d: {  	[tilespmem:s30], [sflag:$0x5] =	stream.indirect_vreg.gather [hbm4b:s7+s3], $0x80, v4, vm1, $0xb8;
	[tilespmem:$0x1E200] =	vst v63  }
0x22e: {  	s31 =	simm.s32 $0xC180  }
0x22f: {  	[tilespmem:s31], [sflag:$0x5] =	stream.indirect_vreg.gather [hbm4b:s1+s3], $0x80, v3, vm1, $0xb8;
	[tilespmem:$0x1E200] =	vst v63  }
0x230: {  	s2 =	simm.s32 $0xC980  }
0x231: {  	[tilespmem:s2], [sflag:$0x5] =	stream.indirect_vreg.gather [hbm4b:s5+s3], $0x80, v3, vm1, $0xb8;
	[tilespmem:$0x1E200] =	vst v63  }
0x232: {  	s30 =	simm.s32 $0xD180  }
0x233: {  	[tilespmem:s30], [sflag:$0x5] =	stream.indirect_vreg.gather [hbm4b:s6+s3], $0x80, v3, vm1, $0xb8;
	[tilespmem:$0x1E200] =	vst v63  }
0x234: {  	s31 =	simm.s32 $0xD980  }
0x235: {  	[tilespmem:s31], [sflag:$0x5] =	stream.indirect_vreg.gather [hbm4b:s7+s3], $0x80, v3, vm1, $0xb8;
	[tilespmem:$0x1E200] =	vst v63  }
0x236: {  	v3 =	vld [tilespmem:$0x90];
	_ =	sdelay $0x4  }
0x237: {  	v59 =	vshll.u32 v3, $0x3  }
0x238: {  	v3 =	vand.u32 $0x7, v3;
	v4 =	vand.u32 $0xFFFFFFC0, v59  }
0x239: {  	v3 =	vor.u32 v3, v4  }
0x23a: {  	v4 =	vperm.xlane v3, v0;
	_ =	sdelay $0x1  }
0x23b: {  	v4 =	vadd.s32 v1, v4;
	_ =	sdelay $0x3  }
0x23c: {  	s2 =	simm.s32 $0xE180  }
0x23d: {  	[tilespmem:s2], [sflag:$0x5] =	stream.indirect_vreg.gather [hbm4b:s1+s3], $0x80, v4, vm1, $0xb8;
	[tilespmem:$0x1E200] =	vst v63  }
0x23e: {  	s30 =	simm.s32 $0xE980;
	v3 =	vperm.xlane v3, v2  }
0x23f: {  	[tilespmem:s30], [sflag:$0x5] =	stream.indirect_vreg.gather [hbm4b:s5+s3], $0x80, v4, vm1, $0xb8;
	[tilespmem:$0x1E200] =	vst v63  }
0x240: {  	s31 =	simm.s32 $0xF180;
	v3 =	vadd.s32 v1, v3  }
0x241: {  	[tilespmem:s31], [sflag:$0x5] =	stream.indirect_vreg.gather [hbm4b:s6+s3], $0x80, v4, vm1, $0xb8;
	[tilespmem:$0x1E200] =	vst v63  }
0x242: {  	s2 =	simm.s32 $0xF980  }
0x243: {  	[tilespmem:s2], [sflag:$0x5] =	stream.indirect_vreg.gather [hbm4b:s7+s3], $0x80, v4, vm1, $0xb8;
	[tilespmem:$0x1E200] =	vst v63  }
0x244: {  	s30 =	simm.s32 $0x10180  }
0x245: {  	[tilespmem:s30], [sflag:$0x5] =	stream.indirect_vreg.gather [hbm4b:s1+s3], $0x80, v3, vm1, $0xb8;
	[tilespmem:$0x1E200] =	vst v63  }
0x246: {  	s31 =	simm.s32 $0x10980  }
0x247: {  	[tilespmem:s31], [sflag:$0x5] =	stream.indirect_vreg.gather [hbm4b:s5+s3], $0x80, v3, vm1, $0xb8;
	[tilespmem:$0x1E200] =	vst v63  }
0x248: {  	s2 =	simm.s32 $0x11180  }
0x249: {  	[tilespmem:s2], [sflag:$0x5] =	stream.indirect_vreg.gather [hbm4b:s6+s3], $0x80, v3, vm1, $0xb8;
	[tilespmem:$0x1E200] =	vst v63  }
0x24a: {  	s30 =	simm.s32 $0x11980  }
0x24b: {  	[tilespmem:s30], [sflag:$0x5] =	stream.indirect_vreg.gather [hbm4b:s7+s3], $0x80, v3, vm1, $0xb8;
	[tilespmem:$0x1E200] =	vst v63  }
0x24c: {  	v3 =	vld.msk [tilespmem:$0xA0], $0xff;
	_ =	sdelay $0x4  }
0x24d: {  	v60 =	vshll.u32 v3, $0x3  }
0x24e: {  	v3 =	vand.u32 $0x7, v3;
	v4 =	vand.u32 $0xFFFFFFC0, v60  }
0x24f: {  	v3 =	vor.u32 v3, v4  }
0x250: {  	v3 =	vperm.xlane v3, v0;
	_ =	sdelay $0x1  }
0x251: {  	v3 =	vadd.s32 v1, v3;
	_ =	sdelay $0x3  }
0x252: {  	s31 =	simm.s32 $0x12180  }
0x253: {  	[tilespmem:s31], [sflag:$0x5] =	stream.indirect_vreg.gather [hbm4b:s1+s3], $0x80, v3, vm1, $0xb8;
	[tilespmem:$0x1E200] =	vst v63  }
0x254: {  	s2 =	simm.s32 $0x12980  }
0x255: {  	[tilespmem:s2], [sflag:$0x5] =	stream.indirect_vreg.gather [hbm4b:s5+s3], $0x80, v3, vm1, $0xb8;
	[tilespmem:$0x1E200] =	vst v63  }
0x256: {  	s30 =	simm.s32 $0x13180  }
0x257: {  	[tilespmem:s30], [sflag:$0x5] =	stream.indirect_vreg.gather [hbm4b:s6+s3], $0x80, v3, vm1, $0xb8;
	[tilespmem:$0x1E200] =	vst v63  }
0x258: {  	s31 =	simm.s32 $0x13980  }
0x259: {  	[tilespmem:s31], [sflag:$0x5] =	stream.indirect_vreg.gather [hbm4b:s7+s3], $0x80, v3, vm1, $0xb8;
	[tilespmem:$0x1E200] =	vst v63  }
0x25a: {  	_ =	swait.ge [sflag:s19], $0xA000  }
0x25b: {  	[sflag:s19] =	ssyncset.done $0x0  }
0x25c: {  	s2 =	rddreg [dreg:$0x13];
	[sflag:s19] =	ssyncadd.s32 $0xFFFF6000  }
0x25d: {  	[hbm4b:s2+s3] =	stream.linear.scatter [tilespmem:s26], [sflag:$0x7], $0xA000, $0x38;
	[tilespmem:$0x1E200] =	vst v63  }
0x25e: {  	_ =	swait.ge [sflag:s29], $0xA000  }
0x25f: {  	[sflag:s29] =	ssyncset.done $0x0  }
0x260: {  	[sflag:s29] =	ssyncadd.s32 $0xFFFF6000  }
0x261: {  	_ =	swait.ge [sflag:s20], $0x28  }
0x262: {  	[sflag:s20] =	ssyncset.done $0x0  }
0x263: {  	[sflag:s20] =	ssyncadd.s32 $0xFFFFFFD8  }
0x264: {  	v3 =	vld [tilespmem:$0x100];
	_ =	sdelay $0x4  }
0x265: {  	v61 =	vshll.u32 v3, $0x3  }
0x266: {  	v3 =	vand.u32 $0x7, v3;
	v4 =	vand.u32 $0xFFFFFFC0, v61  }
0x267: {  	v3 =	vor.u32 v3, v4  }
0x268: {  	v4 =	vperm.xlane v3, v0;
	_ =	sdelay $0x1  }
0x269: {  	v4 =	vadd.s32 v1, v4;
	_ =	sdelay $0x4  }
0x26a: {  	[tilespmem:s21], [sflag:$0x6] =	stream.indirect_vreg.gather [hbm4b:s1+s3], $0x80, v4, vm1, $0xb8;
	[tilespmem:$0x1E200] =	vst v63  }
0x26b: {  	s30 =	simm.s32 $0x14980;
	v3 =	vperm.xlane v3, v2  }
0x26c: {  	[tilespmem:s30], [sflag:$0x6] =	stream.indirect_vreg.gather [hbm4b:s5+s3], $0x80, v4, vm1, $0xb8;
	[tilespmem:$0x1E200] =	vst v63  }
0x26d: {  	s31 =	simm.s32 $0x15180;
	v3 =	vadd.s32 v1, v3  }
0x26e: {  	[tilespmem:s31], [sflag:$0x6] =	stream.indirect_vreg.gather [hbm4b:s6+s3], $0x80, v4, vm1, $0xb8;
	[tilespmem:$0x1E200] =	vst v63  }
0x26f: {  	s2 =	simm.s32 $0x15980  }
0x270: {  	[tilespmem:s2], [sflag:$0x6] =	stream.indirect_vreg.gather [hbm4b:s7+s3], $0x80, v4, vm1, $0xb8;
	[tilespmem:$0x1E200] =	vst v63  }
0x271: {  	s30 =	simm.s32 $0x16180  }
0x272: {  	[tilespmem:s30], [sflag:$0x6] =	stream.indirect_vreg.gather [hbm4b:s1+s3], $0x80, v3, vm1, $0xb8;
	[tilespmem:$0x1E200] =	vst v63  }
0x273: {  	s31 =	simm.s32 $0x16980  }
0x274: {  	[tilespmem:s31], [sflag:$0x6] =	stream.indirect_vreg.gather [hbm4b:s5+s3], $0x80, v3, vm1, $0xb8;
	[tilespmem:$0x1E200] =	vst v63  }
0x275: {  	s2 =	simm.s32 $0x17180  }
0x276: {  	[tilespmem:s2], [sflag:$0x6] =	stream.indirect_vreg.gather [hbm4b:s6+s3], $0x80, v3, vm1, $0xb8;
	[tilespmem:$0x1E200] =	vst v63  }
0x277: {  	s30 =	simm.s32 $0x17980  }
0x278: {  	[tilespmem:s30], [sflag:$0x6] =	stream.indirect_vreg.gather [hbm4b:s7+s3], $0x80, v3, vm1, $0xb8;
	[tilespmem:$0x1E200] =	vst v63  }
0x279: {  	v3 =	vld [tilespmem:$0x110];
	_ =	sdelay $0x4  }
0x27a: {  	v62 =	vshll.u32 v3, $0x3  }
0x27b: {  	v3 =	vand.u32 $0x7, v3;
	v4 =	vand.u32 $0xFFFFFFC0, v62  }
0x27c: {  	v3 =	vor.u32 v3, v4  }
0x27d: {  	v4 =	vperm.xlane v3, v0;
	_ =	sdelay $0x1  }
0x27e: {  	v4 =	vadd.s32 v1, v4;
	_ =	sdelay $0x3  }
0x27f: {  	s31 =	simm.s32 $0x18180  }
0x280: {  	[tilespmem:s31], [sflag:$0x6] =	stream.indirect_vreg.gather [hbm4b:s1+s3], $0x80, v4, vm1, $0xb8;
	[tilespmem:$0x1E200] =	vst v63  }
0x281: {  	s2 =	simm.s32 $0x18980;
	v3 =	vperm.xlane v3, v2  }
0x282: {  	[tilespmem:s2], [sflag:$0x6] =	stream.indirect_vreg.gather [hbm4b:s5+s3], $0x80, v4, vm1, $0xb8;
	[tilespmem:$0x1E200] =	vst v63  }
0x283: {  	s30 =	simm.s32 $0x19180;
	v3 =	vadd.s32 v1, v3  }
0x284: {  	[tilespmem:s30], [sflag:$0x6] =	stream.indirect_vreg.gather [hbm4b:s6+s3], $0x80, v4, vm1, $0xb8;
	[tilespmem:$0x1E200] =	vst v63  }
0x285: {  	_ = 	snop  }
0x286: {  	[tilespmem:s9], [sflag:$0x6] =	stream.indirect_vreg.gather [hbm4b:s7+s3], $0x80, v4, vm1, $0xb8;
	[tilespmem:$0x1E200] =	vst v63  }
0x287: {  	_ = 	snop  }
0x288: {  	[tilespmem:s10], [sflag:$0x6] =	stream.indirect_vreg.gather [hbm4b:s1+s3], $0x80, v3, vm1, $0xb8;
	[tilespmem:$0x1E200] =	vst v63  }
0x289: {  	_ = 	snop  }
0x28a: {  	[tilespmem:s11], [sflag:$0x6] =	stream.indirect_vreg.gather [hbm4b:s5+s3], $0x80, v3, vm1, $0xb8;
	[tilespmem:$0x1E200] =	vst v63  }
0x28b: {  	_ = 	snop  }
0x28c: {  	[tilespmem:s13], [sflag:$0x6] =	stream.indirect_vreg.gather [hbm4b:s6+s3], $0x80, v3, vm1, $0xb8;
	[tilespmem:$0x1E200] =	vst v63  }
0x28d: {  	_ = 	snop  }
0x28e: {  	[tilespmem:s14], [sflag:$0x6] =	stream.indirect_vreg.gather [hbm4b:s7+s3], $0x80, v3, vm1, $0xb8;
	[tilespmem:$0x1E200] =	vst v63  }
0x28f: {  	v3 =	vld.msk [tilespmem:$0x120], $0xff;
	_ =	sdelay $0x4  }
0x290: {  	v63 =	vshll.u32 v3, $0x3  }
0x291: {  	v3 =	vand.u32 $0x7, v3;
	v4 =	vand.u32 $0xFFFFFFC0, v63  }
0x292: {  	v3 =	vor.u32 v3, v4  }
0x293: {  	v3 =	vperm.xlane v3, v0;
	_ =	sdelay $0x1  }
0x294: {  	v3 =	vadd.s32 v1, v3;
	_ =	sdelay $0x4  }
0x295: {  	[tilespmem:s15], [sflag:$0x6] =	stream.indirect_vreg.gather [hbm4b:s1+s3], $0x80, v3, vm1, $0xb8;
	[tilespmem:$0x1E200] =	vst v63  }
0x296: {  	_ = 	snop  }
0x297: {  	[tilespmem:s16], [sflag:$0x6] =	stream.indirect_vreg.gather [hbm4b:s5+s3], $0x80, v3, vm1, $0xb8;
	[tilespmem:$0x1E200] =	vst v63  }
0x298: {  	_ = 	snop  }
0x299: {  	[tilespmem:s17], [sflag:$0x6] =	stream.indirect_vreg.gather [hbm4b:s6+s3], $0x80, v3, vm1, $0xb8;
	[tilespmem:$0x1E200] =	vst v63  }
0x29a: {  	_ = 	snop  }
0x29b: {  	[tilespmem:s18], [sflag:$0x6] =	stream.indirect_vreg.gather [hbm4b:s7+s3], $0x80, v3, vm1, $0xb8;
	[tilespmem:$0x1E200] =	vst v63  }
0x29c: {  	_ =	swait.ge [sflag:s12], $0xA000  }
0x29d: {  	[sflag:s12] =	ssyncset.done $0x0  }
0x29e: {  	s31 =	rddreg [dreg:$0x14];
	[sflag:s12] =	ssyncadd.s32 $0xFFFF6000  }
0x29f: {  	[hbm4b:s31+s3] =	stream.linear.scatter [tilespmem:s22], [sflag:$0x8], $0xA000, $0x38;
	[tilespmem:$0x1E200] =	vst v63  }
0x2a0: {  	_ =	swait.ge [sflag:s24], $0xA000  }
0x2a1: {  	[sflag:s24] =	ssyncset.done $0x0  }
0x2a2: {  	s2 =	rddreg [dreg:$0x12];
	[sflag:s24] =	ssyncadd.s32 $0xFFFF6000  }
0x2a3: {  	[hbm4b:s2+s3] =	stream.linear.scatter [tilespmem:s21], [sflag:$0x9], $0xA000, $0x38;
	[tilespmem:$0x1E200] =	vst v63  }
0x2a4: {  	_ =	swait.ge [sflag:s23], $0xA000  }
0x2a5: {  	[sflag:s23] =	ssyncset.done $0x0  }
0x2a6: {  	[sflag:s23] =	ssyncadd.s32 $0xFFFF6000  }
0x2a7: {  	_ =	swait.ge [sflag:s28], $0xA000  }
0x2a8: {  	[sflag:s28] =	ssyncset.done $0x0  }
0x2a9: {  	[sflag:s28] =	ssyncadd.s32 $0xFFFF6000  }
0x2aa: {  	_ =	swait.ge [sflag:s29], $0xA000  }
0x2ab: {  	s30 =	rddreg [dreg:$0x17]  }
0x2ac: {  	s31 =	rddreg [dreg:$0x15];
	s2 =	sadd.s32 $0x1, s30  }
0x2ad: {  	p1 =	sne.s32 s2, s31  }
.Ltmp1:
0x2ae: {  	_ = 	snop;
	(pc) =	sbr.rel @p1 .LBB2_1-.Ltmp1, $3  }
0x2af: {  	_ =	sdelay $0x1  }
0x2b0: {  	[sflag:s29] =	ssyncset.done $0x0  }
0x2b1: {  	[sflag:s29] =	ssyncadd.s32 $0xFFFF6000  }
0x2b2: {  	_ =	sfence.sel $0x180000  }
0x2b3: {  	[bflag:$0x0] =	sbarrier.arrive $0xFFFF  }
0x2b4: {  	_ =	strace $0x90000047  }
0x2b5: {  	s0 =	stileid.u32;
	[bflag:$0x2] =	sbarrier.arrive $0xFFFF  }
0x2b6: {  	p0 =	sne.s32 s0, $0x0;
	s0 =	rddreg [dreg:$0x3]  }
0x2b7: {  	s0 =	sadd.s32 @!p0 $0x100000, s0  }
0x2b8: {  	[sflag:s0] =	ssyncadd.tile.s32 @!p0 $0x1;
	_ =	shalt  }
.Lfunc_end2:
_tile_overlayer_lowered:
.L_overlay_start_2:
0x2b9: {  	(tag) =	ssettag $0x2  }
0x2ba: {  	s0 =	rddreg [dreg:$0x0];
	s2 =	stileid.u32  }
0x2bb: {  	s1 =	rddreg [dreg:$0x1];
	p0 =	sne.s32 s2, $0x0  }
0x2bc: {  	s3 =	rddreg [dreg:$0x2];
	[bflag:$0x3] =	sbarrier.arrive $0xFFFF;
	s2 =	simm.s32 @!p0 $0x1C0A  }
0x2bd: {  	[timem:s3], [sflag:s2] =	dma.local @!p0 [hbm:s0], s1  }
0x2be: {  	s0 =	simm.s32 @!p0 $0xA  }
0x2bf: {  	_ =	swait.ge @!p0 [sflag:s0], s1  }
0x2c0: {  	s1 =	ssub.s32 @!p0 $0x0, s1;
	[sflag:s0] =	ssyncset.done @!p0 $0x0  }
0x2c1: {  	[sflag:s0] =	ssyncadd.s32 @!p0 s1  }
0x2c2: {  	[bflag:$0x3] =	sbarrier.arrive $0xFFFF  }
0x2c3: {  	_ =	shalt  }

</sc_bundles>
